<compile_context>
chip_gen: v7x
topology: tpu7x:2x2x1
jax: 0.10.2.dev20260603
libtpu: 0.0.44.dev20260713+nightly
codegen_flags: <defaults>
</compile_context>

<pallas_src>
import functools

import jax
import jax.numpy as jnp
from jax import lax
from jax.experimental import pallas as pl
from jax.experimental.pallas import tpu as pltpu
from jax.experimental.pallas import tpu_sc as plsc

VOCAB = 100000
MAXLEN = 200
DIM = 32
BATCH = 4096

NUM_CORES = 2
NUM_SUBCORES = 16
NUM_WORKERS = NUM_CORES * NUM_SUBCORES

LANES = 128
SUBL = 8
VTILES = (VOCAB + LANES - 1) // LANES
VPAD = VTILES * LANES
DTILES = DIM // SUBL

BBLK = 32
NBLK = BATCH // BBLK
VEC = 16


def _sc_embed(tphys, idx_flat, pos16, bpat):
    mesh = plsc.VectorSubcoreMesh(core_axis_name="c", subcore_axis_name="s")

    @functools.partial(
        pl.kernel,
        mesh=mesh,
        compiler_params=pltpu.CompilerParams(
            use_tc_tiling_on_sc=False, needs_layout_passes=False
        ),
        out_type=jax.ShapeDtypeStruct((BATCH * MAXLEN, DIM), jnp.float32),
        scratch_types=[
            pltpu.VMEM((VTILES, LANES), jnp.float32),
            pltpu.VMEM((BBLK * MAXLEN,), jnp.int32),
            pltpu.VMEM((BBLK * MAXLEN,), jnp.int32),
            pltpu.VMEM((MAXLEN, BBLK), jnp.float32),
            pltpu.VMEM((MAXLEN, BBLK), jnp.float32),
            pltpu.VMEM((MAXLEN * VEC,), jnp.float32),
            pltpu.VMEM((BBLK,), jnp.int32),
            pltpu.VMEM((MAXLEN + VEC,), jnp.int32),
            pltpu.VMEM((MAXLEN + VEC,), jnp.int32),
            pltpu.VMEM((MAXLEN + VEC,), jnp.int32),
            pltpu.SemaphoreType.DMA,
            pltpu.SemaphoreType.DMA,
            pltpu.SemaphoreType.DMA,
            pltpu.SemaphoreType.DMA,
        ],
    )
    def k(tbl_hbm, idx_hbm, pos_hbm, bpat_hbm, lconst_hbm, out_hbm,
          tbl_v, xa, xb, sa, sb, pos_v, bpat_v, ra, rb, lconst_v,
          in_a, in_b, out_a, out_b):
        d = lax.axis_index("s") * NUM_CORES + lax.axis_index("c")
        dt = d // SUBL
        ds = d % SUBL

        pltpu.sync_copy(tbl_hbm.at[dt, :, ds, :], tbl_v)
        pltpu.sync_copy(pos_hbm.at[pl.ds(d * MAXLEN * VEC, MAXLEN * VEC)],
                        pos_v)
        pltpu.sync_copy(bpat_hbm, bpat_v)
        pltpu.sync_copy(lconst_hbm, lconst_v)
        b_lo = bpat_v[pl.ds(0, VEC)]
        b_hi = bpat_v[pl.ds(VEC, VEC)]
        zero16 = jnp.zeros((VEC,), jnp.int32)
        col0 = lax.iota(jnp.int32, VEC)

        def start_in(blk, xv, sem):
            pltpu.async_copy(
                idx_hbm.at[pl.ds(blk * (BBLK * MAXLEN), BBLK * MAXLEN)],
                xv, sem)

        def wait_in(blk, xv, sem):
            pltpu.make_async_copy(
                idx_hbm.at[pl.ds(blk * (BBLK * MAXLEN), BBLK * MAXLEN)],
                xv, sem).wait()

        def fill_ridx(blk, rv):
            bt = blk // (LANES // BBLK)
            q = blk % (LANES // BBLK)
            rbase = ((dt * (BATCH // LANES) + bt) * SUBL + ds) * 4 + q
            for i in range((MAXLEN + VEC) // VEC):
                rv.at[pl.ds(i * VEC, VEC)][...] = (
                    lconst_v[pl.ds(i * VEC, VEC)] + rbase
                )

        def start_out(blk, sv, rv, sem):
            fill_ridx(blk, rv)
            pltpu.async_copy(sv, out_hbm.at[rv.at[pl.ds(0, MAXLEN)]], sem)

        def wait_out(sv, rv, sem):
            pltpu.make_async_copy(
                sv, out_hbm.at[rv.at[pl.ds(0, MAXLEN)]], sem).wait()

        def compute(xv, sv):
            @plsc.parallel_loop(0, MAXLEN, unroll=4)
            def _(l):
                pv = pos_v[pl.ds(l * VEC, VEC)]
                for h, bvec in ((0, b_lo), (1, b_hi)):
                    xi = plsc.load_gather(xv, [bvec + l])
                    tv = plsc.load_gather(tbl_v, [zero16, xi])
                    sv.at[l, pl.ds(h * VEC, VEC)][...] = tv + pv

        start_in(0, xa, in_a)

        @pl.loop(0, NBLK, step=2)
        def _(k0):
            start_in(k0 + 1, xb, in_b)
            wait_in(k0, xa, in_a)

            @pl.when(k0 >= 2)
            def _():
                wait_out(sa, ra, out_a)

            compute(xa, sa)
            start_out(k0, sa, ra, out_a)

            @pl.when(k0 + 2 < NBLK)
            def _():
                start_in(k0 + 2, xa, in_a)

            wait_in(k0 + 1, xb, in_b)

            @pl.when(k0 >= 2)
            def _():
                wait_out(sb, rb, out_b)

            compute(xb, sb)
            start_out(k0 + 1, sb, rb, out_b)

        wait_out(sa, ra, out_a)
        wait_out(sb, rb, out_b)

    lconst = jnp.arange(MAXLEN + VEC, dtype=jnp.int32) * (DIM * LANES)
    return k(tphys, idx_flat, pos16, bpat, lconst)


def kernel(x, token_table, pos_table):
    tphys = jnp.pad(token_table.astype(jnp.float32), ((0, VPAD - VOCAB), (0, 0)))
    tphys = tphys.reshape(VTILES, LANES, DTILES, SUBL).transpose(2, 0, 3, 1)
    idx_flat = x.reshape(BATCH * MAXLEN).astype(jnp.int32)
    pos16 = jnp.repeat(
        pos_table.astype(jnp.float32).T[:, :, None], VEC, axis=2
    ).reshape(DIM * MAXLEN * VEC)
    bpat = jnp.arange(BBLK, dtype=jnp.int32) * MAXLEN

    out2 = _sc_embed(tphys, idx_flat, pos16, bpat)
    out5 = out2.reshape(MAXLEN, DTILES, BATCH // LANES, SUBL, LANES)
    return out5.transpose(2, 4, 0, 1, 3).reshape(BATCH, MAXLEN, DIM)

# --- scband reference (transcript-rebuilt; emitter-appended) ---
"""Pipeline reference for scband-token-and-position-embedding-45148696216575 (READ-ONLY COPY).

The authoritative reference and input builder live on the scoring server;
editing this copy changes nothing except your own understanding.
"""

import jax, jax.numpy as jnp
import numpy as np

VOCAB_SIZE = 100000
MAXLEN = 200
EMBED_DIM = 32
BATCH = 4096

def setup_inputs(seed: int = 0) -> dict:
    key = jax.random.key(seed)
    k1, k2, k3 = jax.random.split(key, 3)
    x = jax.random.randint(k1, (BATCH, MAXLEN), 0, VOCAB_SIZE, dtype=jnp.int64 if jax.config.jax_enable_x64 else jnp.int32)
    token_table = jax.random.normal(k2, (VOCAB_SIZE, EMBED_DIM), dtype=jnp.float32) * 0.05
    pos_table = jax.random.normal(k3, (MAXLEN, EMBED_DIM), dtype=jnp.float32) * 0.05
    return {"x": x, "token_table": token_table, "pos_table": pos_table}

def reference(x, token_table, pos_table):
    # TokenAndPositionEmbedding.call:
    #   maxlen = tf.shape(x)[1]; positions = tf.range(maxlen)
    #   return token_emb(x) + pos_emb(positions)
    seq_len = x.shape[1]
    positions = jnp.arange(seq_len)
    tok = jnp.take(token_table, x, axis=0)            # [B, L, D] gather
    pos = jnp.take(pos_table, positions, axis=0)      # [L, D]
    return tok + pos[None, :, :]

if __name__ == "__main__":
    import jax
    _d = setup_inputs()
    print(jax.jit(kernel)(*tuple(_d.values())))

</pallas_src>

<mosaic_0001>
#map = affine_map<(d0, d1) -> (0, 0, 0, 0)>
#map1 = affine_map<(d0, d1) -> (0)>
#map2 = affine_map<(d0, d1) -> (0, 0)>
module attributes {stable_mosaic.version = 14 : i64} {
  func.func @k(%arg0: i32, %arg1: i32, %arg2: memref<4x782x8x128xf32, #tpu.memory_space<hbm>>, %arg3: memref<819200xi32, #tpu.memory_space<hbm>>, %arg4: memref<102400xf32, #tpu.memory_space<hbm>>, %arg5: memref<32xi32, #tpu.memory_space<hbm>>, %arg6: memref<216xi32, #tpu.memory_space<hbm>>, %arg7: memref<819200x32xf32, #tpu.memory_space<hbm>>, %arg8: memref<782x128xf32, #tpu.memory_space<vmem>>, %arg9: memref<6400xi32, #tpu.memory_space<vmem>>, %arg10: memref<6400xi32, #tpu.memory_space<vmem>>, %arg11: memref<200x32xf32, #tpu.memory_space<vmem>>, %arg12: memref<200x32xf32, #tpu.memory_space<vmem>>, %arg13: memref<3200xf32, #tpu.memory_space<vmem>>, %arg14: memref<32xi32, #tpu.memory_space<vmem>>, %arg15: memref<216xi32, #tpu.memory_space<vmem>>, %arg16: memref<216xi32, #tpu.memory_space<vmem>>, %arg17: memref<216xi32, #tpu.memory_space<vmem>>, %arg18: memref<!tpu.dma_semaphore, #tpu.memory_space<semaphore_mem>>, %arg19: memref<!tpu.dma_semaphore, #tpu.memory_space<semaphore_mem>>, %arg20: memref<!tpu.dma_semaphore, #tpu.memory_space<semaphore_mem>>, %arg21: memref<!tpu.dma_semaphore, #tpu.memory_space<semaphore_mem>>) attributes {dimension_semantics = [#tpu.dimension_semantics<core_parallel>, #tpu.dimension_semantics<subcore_parallel>], iteration_bounds = array<i64: 2, 16>, scalar_prefetch = 0 : i64, scratch_operands = 14 : i64, tpu.core_type = #tpu.core_type<sc_vector_subcore>, window_params = [{transform_indices = #map}, {transform_indices = #map1}, {transform_indices = #map1}, {transform_indices = #map1}, {transform_indices = #map1}, {transform_indices = #map2}]} {
    %mul3A = arith.constant 2 : i32
    %mul3A_0 = arith.muli %arg1, %mul3A : i32
    %add3A = arith.addi %mul3A_0, %arg0 : i32
    %jit3A = arith.constant 8 : i32
    %div3A = arith.divsi %add3A, %jit3A : i32
    %sign3A = arith.constant 0 : i32
    %sign3A_1 = arith.cmpi sgt, %add3A, %sign3A : i32
    %sign3A_2 = arith.extui %sign3A_1 : i1 to i32
    %sign3A_3 = arith.constant 0 : i32
    %sign3A_4 = arith.cmpi slt, %add3A, %sign3A_3 : i32
    %sign3A_5 = arith.extui %sign3A_4 : i1 to i32
    %sign3A_6 = arith.subi %sign3A_2, %sign3A_5 : i32
    %sign3A_7 = arith.constant 0 : i32
    %sign3A_8 = arith.cmpi sgt, %jit3A, %sign3A_7 : i32
    %sign3A_9 = arith.extui %sign3A_8 : i1 to i32
    %sign3A_10 = arith.constant 0 : i32
    %sign3A_11 = arith.cmpi slt, %jit3A, %sign3A_10 : i32
    %sign3A_12 = arith.extui %sign3A_11 : i1 to i32
    %sign3A_13 = arith.subi %sign3A_9, %sign3A_12 : i32
    %ne3A = arith.cmpi ne, %sign3A_6, %sign3A_13 : i32
    %rem3A = arith.remsi %add3A, %jit3A : i32
    %ne3A_14 = arith.constant 0 : i32
    %ne3A_15 = arith.cmpi ne, %rem3A, %ne3A_14 : i32
    %and3A = arith.andi %ne3A, %ne3A_15 : i1
    %sub3A = arith.constant 1 : i32
    %sub3A_16 = arith.subi %div3A, %sub3A : i32
    %select_n3A = arith.select %and3A, %sub3A_16, %div3A : i32
    %jit3A_17 = arith.constant 8 : i32
    %eq3A = arith.constant 0 : i32
    %eq3A_18 = arith.cmpi eq, %jit3A_17, %eq3A : i32
    %jit3A_19 = arith.constant 1 : i32
    %select_n3A_20 = arith.select %eq3A_18, %jit3A_19, %jit3A_17 : i32
    %rem3A_21 = arith.remsi %add3A, %select_n3A_20 : i32
    %ne3A_22 = arith.constant 0 : i32
    %ne3A_23 = arith.cmpi ne, %rem3A_21, %ne3A_22 : i32
    %lt3A = arith.constant 0 : i32
    %lt3A_24 = arith.cmpi slt, %rem3A_21, %lt3A : i32
    %lt3A_25 = arith.constant 0 : i32
    %lt3A_26 = arith.cmpi slt, %select_n3A_20, %lt3A_25 : i32
    %ne3A_27 = arith.xori %lt3A_24, %lt3A_26 : i1
    %and3A_28 = arith.andi %ne3A_27, %ne3A_23 : i1
    %add3A_29 = arith.addi %rem3A_21, %select_n3A_20 : i32
    %select_n3A_30 = arith.select %and3A_28, %add3A_29, %rem3A_21 : i32
    "tpu.region"() ({
      %run_scoped3A = tpu.sem_alloc : memref<!tpu.dma_semaphore, #tpu.memory_space<semaphore_mem>>
      %dma_start3A_55 = arith.constant 0 : i32
      %dma_start3A_56 = arith.constant 0 : i32
      %dma_start3A_57 = tpu.memref_slice %arg2[%select_n3A, %dma_start3A_55, %select_n3A_30, %dma_start3A_56] : memref<4x782x8x128xf32, #tpu.memory_space<hbm>> -> memref<1x782x1x128xf32, #tpu.memory_space<hbm>>
      %dma_start3A_58 = tpu.memref_squeeze %dma_start3A_57 : memref<1x782x1x128xf32, #tpu.memory_space<hbm>> -> memref<782x128xf32, #tpu.memory_space<hbm>>
      %dma_start3A_59 = arith.constant 0 : i32
      %dma_start3A_60 = arith.constant 0 : i32
      %dma_start3A_61 = tpu.memref_slice %arg2[%select_n3A, %dma_start3A_59, %select_n3A_30, %dma_start3A_60] : memref<4x782x8x128xf32, #tpu.memory_space<hbm>> -> memref<1x782x1x128xf32, #tpu.memory_space<hbm>>
      %dma_start3A_62 = tpu.memref_squeeze %dma_start3A_61 : memref<1x782x1x128xf32, #tpu.memory_space<hbm>> -> memref<782x128xf32, #tpu.memory_space<hbm>>
      tpu.enqueue_dma source(%dma_start3A_62 : memref<782x128xf32, #tpu.memory_space<hbm>>) target(%arg8 : memref<782x128xf32, #tpu.memory_space<vmem>>) target_semaphore(%run_scoped3A : memref<!tpu.dma_semaphore, #tpu.memory_space<semaphore_mem>>)
      %dma_wait3A_63 = arith.constant 0 : i32
      %dma_wait3A_64 = arith.constant 0 : i32
      %dma_wait3A_65 = tpu.memref_slice %arg2[%select_n3A, %dma_wait3A_63, %select_n3A_30, %dma_wait3A_64] : memref<4x782x8x128xf32, #tpu.memory_space<hbm>> -> memref<1x782x1x128xf32, #tpu.memory_space<hbm>>
      %dma_wait3A_66 = tpu.memref_squeeze %dma_wait3A_65 : memref<1x782x1x128xf32, #tpu.memory_space<hbm>> -> memref<782x128xf32, #tpu.memory_space<hbm>>
      %dma_wait3A_67 = arith.constant 0 : i32
      %dma_wait3A_68 = arith.constant 0 : i32
      %dma_wait3A_69 = tpu.memref_slice %arg2[%select_n3A, %dma_wait3A_67, %select_n3A_30, %dma_wait3A_68] : memref<4x782x8x128xf32, #tpu.memory_space<hbm>> -> memref<1x782x1x128xf32, #tpu.memory_space<hbm>>
      %dma_wait3A_70 = tpu.memref_squeeze %dma_wait3A_69 : memref<1x782x1x128xf32, #tpu.memory_space<hbm>> -> memref<782x128xf32, #tpu.memory_space<hbm>>
      tpu.wait_dma2 semaphore(%run_scoped3A : memref<!tpu.dma_semaphore, #tpu.memory_space<semaphore_mem>>) src(%dma_wait3A_70 : memref<782x128xf32, #tpu.memory_space<hbm>>) dst(%arg8 : memref<782x128xf32, #tpu.memory_space<vmem>>)
      tpu.yield
    }) : () -> ()
    %mul3A_31 = arith.constant 200 : i32
    %mul3A_32 = arith.muli %add3A, %mul3A_31 : i32
    %mul3A_33 = arith.constant 16 : i32
    %mul3A_34 = arith.muli %mul3A_32, %mul3A_33 : i32
    "tpu.region"() ({
      %run_scoped3A = tpu.sem_alloc : memref<!tpu.dma_semaphore, #tpu.memory_space<semaphore_mem>>
      %dma_start3A_55 = tpu.memref_slice %arg4[%mul3A_34] : memref<102400xf32, #tpu.memory_space<hbm>> -> memref<3200xf32, #tpu.memory_space<hbm>>
      %dma_start3A_56 = tpu.memref_slice %arg4[%mul3A_34] : memref<102400xf32, #tpu.memory_space<hbm>> -> memref<3200xf32, #tpu.memory_space<hbm>>
      tpu.enqueue_dma source(%dma_start3A_56 : memref<3200xf32, #tpu.memory_space<hbm>>) target(%arg13 : memref<3200xf32, #tpu.memory_space<vmem>>) target_semaphore(%run_scoped3A : memref<!tpu.dma_semaphore, #tpu.memory_space<semaphore_mem>>)
      %dma_wait3A_57 = tpu.memref_slice %arg4[%mul3A_34] : memref<102400xf32, #tpu.memory_space<hbm>> -> memref<3200xf32, #tpu.memory_space<hbm>>
      %dma_wait3A_58 = tpu.memref_slice %arg4[%mul3A_34] : memref<102400xf32, #tpu.memory_space<hbm>> -> memref<3200xf32, #tpu.memory_space<hbm>>
      tpu.wait_dma2 semaphore(%run_scoped3A : memref<!tpu.dma_semaphore, #tpu.memory_space<semaphore_mem>>) src(%dma_wait3A_58 : memref<3200xf32, #tpu.memory_space<hbm>>) dst(%arg13 : memref<3200xf32, #tpu.memory_space<vmem>>)
      tpu.yield
    }) : () -> ()
    "tpu.region"() ({
      %run_scoped3A = tpu.sem_alloc : memref<!tpu.dma_semaphore, #tpu.memory_space<semaphore_mem>>
      tpu.enqueue_dma source(%arg5 : memref<32xi32, #tpu.memory_space<hbm>>) target(%arg14 : memref<32xi32, #tpu.memory_space<vmem>>) target_semaphore(%run_scoped3A : memref<!tpu.dma_semaphore, #tpu.memory_space<semaphore_mem>>)
      tpu.wait_dma2 semaphore(%run_scoped3A : memref<!tpu.dma_semaphore, #tpu.memory_space<semaphore_mem>>) src(%arg5 : memref<32xi32, #tpu.memory_space<hbm>>) dst(%arg14 : memref<32xi32, #tpu.memory_space<vmem>>)
      tpu.yield
    }) : () -> ()
    "tpu.region"() ({
      %run_scoped3A = tpu.sem_alloc : memref<!tpu.dma_semaphore, #tpu.memory_space<semaphore_mem>>
      tpu.enqueue_dma source(%arg6 : memref<216xi32, #tpu.memory_space<hbm>>) target(%arg17 : memref<216xi32, #tpu.memory_space<vmem>>) target_semaphore(%run_scoped3A : memref<!tpu.dma_semaphore, #tpu.memory_space<semaphore_mem>>)
      tpu.wait_dma2 semaphore(%run_scoped3A : memref<!tpu.dma_semaphore, #tpu.memory_space<semaphore_mem>>) src(%arg6 : memref<216xi32, #tpu.memory_space<hbm>>) dst(%arg17 : memref<216xi32, #tpu.memory_space<vmem>>)
      tpu.yield
    }) : () -> ()
    %get3A = arith.constant 0 : index
    %get3A_35 = tpu.vector_load %arg14[%get3A] {strides = array<i32>} : memref<32xi32, #tpu.memory_space<vmem>>, vector<16xi32>,
    %get3A_36 = arith.constant 16 : index
    %get3A_37 = tpu.vector_load %arg14[%get3A_36] {strides = array<i32>} : memref<32xi32, #tpu.memory_space<vmem>>, vector<16xi32>,
    %broadcast_in_dim3A = arith.constant 0 : i32
    %broadcast_in_dim3A_38 = vector.broadcast %broadcast_in_dim3A : i32 to vector<16xi32>
    %iota3A = tpu.iota {dimensions = array<i32: 0>} : vector<16xi32>
    %dma_start3A = arith.constant 0 : i32
    %dma_start3A_39 = tpu.memref_slice %arg3[%dma_start3A] : memref<819200xi32, #tpu.memory_space<hbm>> -> memref<6400xi32, #tpu.memory_space<hbm>>
    %dma_start3A_40 = arith.constant 0 : i32
    %dma_start3A_41 = tpu.memref_slice %arg3[%dma_start3A_40] : memref<819200xi32, #tpu.memory_space<hbm>> -> memref<6400xi32, #tpu.memory_space<hbm>>
    tpu.enqueue_dma source(%dma_start3A_41 : memref<6400xi32, #tpu.memory_space<hbm>>) target(%arg9 : memref<6400xi32, #tpu.memory_space<vmem>>) target_semaphore(%arg18 : memref<!tpu.dma_semaphore, #tpu.memory_space<semaphore_mem>>)
    %scan3A = arith.constant 0 : i32
    %scan3A_42 = arith.constant 64 : i32
    %scan3A_43 = arith.addi %scan3A, %scan3A_42 : i32
    %scan3A_44 = arith.constant 1 : i32
    scf.for %scan3A_55 = %scan3A to %scan3A_43 step %scan3A_44  : i32 {
      %mul3A_56 = arith.constant 2 : i32
      %mul3A_57 = arith.muli %scan3A_55, %mul3A_56 : i32
      %add3A_58 = arith.constant 0 : i32
      %add3A_59 = arith.addi %add3A_58, %mul3A_57 : i32
      %add3A_60 = arith.constant 1 : i32
      %add3A_61 = arith.addi %add3A_59, %add3A_60 : i32
      %mul3A_62 = arith.constant 6400 : i32
      %mul3A_63 = arith.muli %add3A_61, %mul3A_62 : i32
      %dma_start3A_64 = tpu.memref_slice %arg3[%mul3A_63] : memref<819200xi32, #tpu.memory_space<hbm>> -> memref<6400xi32, #tpu.memory_space<hbm>>
      %dma_start3A_65 = tpu.memref_slice %arg3[%mul3A_63] : memref<819200xi32, #tpu.memory_space<hbm>> -> memref<6400xi32, #tpu.memory_space<hbm>>
      tpu.enqueue_dma source(%dma_start3A_65 : memref<6400xi32, #tpu.memory_space<hbm>>) target(%arg10 : memref<6400xi32, #tpu.memory_space<vmem>>) target_semaphore(%arg19 : memref<!tpu.dma_semaphore, #tpu.memory_space<semaphore_mem>>)
      %mul3A_66 = arith.constant 6400 : i32
      %mul3A_67 = arith.muli %add3A_59, %mul3A_66 : i32
      %dma_wait3A_68 = tpu.memref_slice %arg3[%mul3A_67] : memref<819200xi32, #tpu.memory_space<hbm>> -> memref<6400xi32, #tpu.memory_space<hbm>>
      %dma_wait3A_69 = tpu.memref_slice %arg3[%mul3A_67] : memref<819200xi32, #tpu.memory_space<hbm>> -> memref<6400xi32, #tpu.memory_space<hbm>>
      tpu.wait_dma2 semaphore(%arg18 : memref<!tpu.dma_semaphore, #tpu.memory_space<semaphore_mem>>) src(%dma_wait3A_69 : memref<6400xi32, #tpu.memory_space<hbm>>) dst(%arg9 : memref<6400xi32, #tpu.memory_space<vmem>>)
      %ge3A = arith.constant 2 : i32
      %ge3A_70 = arith.cmpi sge, %add3A_59, %ge3A : i32
      %convert_element_type3A = arith.extui %ge3A_70 : i1 to i32
      %cond3A = arith.constant 0 : i32
      %cond3A_71 = arith.cmpi ne, %convert_element_type3A, %cond3A : i32
      scf.if %cond3A_71 {
        %dma_wait3A_360 = arith.constant 0 : i32
        %dma_wait3A_361 = tpu.memref_slice %arg15[%dma_wait3A_360] : memref<216xi32, #tpu.memory_space<vmem>> -> memref<200xi32, #tpu.memory_space<vmem>>
        %dma_wait3A_362 = arith.constant 0 : i32
        %dma_wait3A_363 = arith.constant 0 : i32
        %dma_wait3A_364 = tpu.memref_slice %arg7[%dma_wait3A_362, %dma_wait3A_363] : memref<819200x32xf32, #tpu.memory_space<hbm>> -> memref<819200x32xf32, #tpu.memory_space<hbm>>
        tpu.wait_indirect_dma semaphore(%arg20 : memref<!tpu.dma_semaphore, #tpu.memory_space<semaphore_mem>>) src(%arg11 : memref<200x32xf32, #tpu.memory_space<vmem>>) dst(%dma_wait3A_364 : memref<819200x32xf32, #tpu.memory_space<hbm>>)
      } else {
      }
      %parallel_loop3A = arith.constant 0 : i32
      %parallel_loop3A_72 = arith.constant 200 : i32
      %parallel_loop3A_73 = arith.constant 1 : i32
      scf.for %parallel_loop3A_360 = %parallel_loop3A to %parallel_loop3A_72 step %parallel_loop3A_73  : i32 {
        %parallel_loop3A_361 = arith.constant 16 : i32
        %parallel_loop3A_362 = arith.muli %parallel_loop3A_360, %parallel_loop3A_361 : i32
        %parallel_loop3A_363 = arith.index_cast %parallel_loop3A_362 : i32 to index
        %parallel_loop3A_364 = tpu.vector_load %arg13[%parallel_loop3A_363] {strides = array<i32>} : memref<3200xf32, #tpu.memory_space<vmem>>, vector<16xf32>,
        %parallel_loop3A_365 = vector.broadcast %parallel_loop3A_360 : i32 to vector<16xi32>
        %parallel_loop3A_366 = arith.addi %get3A_35, %parallel_loop3A_365 : vector<16xi32>
        %parallel_loop3A_367 = tpu.vector_load_idx %arg9[%parallel_loop3A_366] : memref<6400xi32, #tpu.memory_space<vmem>>[vector<16xi32>], vector<16xi32>,
        %parallel_loop3A_368 = tpu.vector_load_idx %arg8[%broadcast_in_dim3A_38, %parallel_loop3A_367] : memref<782x128xf32, #tpu.memory_space<vmem>>[vector<16xi32>, vector<16xi32>], vector<16xf32>,
        %parallel_loop3A_369 = arith.addf %parallel_loop3A_368, %parallel_loop3A_364 : vector<16xf32>
        %parallel_loop3A_370 = arith.index_cast %parallel_loop3A_360 : i32 to index
        %parallel_loop3A_371 = arith.constant 0 : index
        %parallel_loop3A_372 = tpu.vector_load %arg11[%parallel_loop3A_370, %parallel_loop3A_371] {strides = array<i32>} : memref<200x32xf32, #tpu.memory_space<vmem>>, vector<16xf32>,
        tpu.vector_store %arg11[%parallel_loop3A_370, %parallel_loop3A_371], %parallel_loop3A_369 {strides = array<i32>} : memref<200x32xf32, #tpu.memory_space<vmem>>, vector<16xf32>,
        %parallel_loop3A_373 = vector.broadcast %parallel_loop3A_360 : i32 to vector<16xi32>
        %parallel_loop3A_374 = arith.addi %get3A_37, %parallel_loop3A_373 : vector<16xi32>
        %parallel_loop3A_375 = tpu.vector_load_idx %arg9[%parallel_loop3A_374] : memref<6400xi32, #tpu.memory_space<vmem>>[vector<16xi32>], vector<16xi32>,
        %parallel_loop3A_376 = tpu.vector_load_idx %arg8[%broadcast_in_dim3A_38, %parallel_loop3A_375] : memref<782x128xf32, #tpu.memory_space<vmem>>[vector<16xi32>, vector<16xi32>], vector<16xf32>,
        %parallel_loop3A_377 = arith.addf %parallel_loop3A_376, %parallel_loop3A_364 : vector<16xf32>
        %parallel_loop3A_378 = arith.index_cast %parallel_loop3A_360 : i32 to index
        %parallel_loop3A_379 = arith.constant 16 : index
        %parallel_loop3A_380 = tpu.vector_load %arg11[%parallel_loop3A_378, %parallel_loop3A_379] {strides = array<i32>} : memref<200x32xf32, #tpu.memory_space<vmem>>, vector<16xf32>,
        tpu.vector_store %arg11[%parallel_loop3A_378, %parallel_loop3A_379], %parallel_loop3A_377 {strides = array<i32>} : memref<200x32xf32, #tpu.memory_space<vmem>>, vector<16xf32>,
      } {sc.loop_unroll_factor = 4 : i64, sc.parallel_access}
      %jit3A_74 = arith.constant 4 : i32
      %div3A_75 = arith.divsi %add3A_59, %jit3A_74 : i32
      %sign3A_76 = arith.constant 0 : i32
      %sign3A_77 = arith.cmpi sgt, %add3A_59, %sign3A_76 : i32
      %sign3A_78 = arith.extui %sign3A_77 : i1 to i32
      %sign3A_79 = arith.constant 0 : i32
      %sign3A_80 = arith.cmpi slt, %add3A_59, %sign3A_79 : i32
      %sign3A_81 = arith.extui %sign3A_80 : i1 to i32
      %sign3A_82 = arith.subi %sign3A_78, %sign3A_81 : i32
      %sign3A_83 = arith.constant 0 : i32
      %sign3A_84 = arith.cmpi sgt, %jit3A_74, %sign3A_83 : i32
      %sign3A_85 = arith.extui %sign3A_84 : i1 to i32
      %sign3A_86 = arith.constant 0 : i32
      %sign3A_87 = arith.cmpi slt, %jit3A_74, %sign3A_86 : i32
      %sign3A_88 = arith.extui %sign3A_87 : i1 to i32
      %sign3A_89 = arith.subi %sign3A_85, %sign3A_88 : i32
      %ne3A_90 = arith.cmpi ne, %sign3A_82, %sign3A_89 : i32
      %rem3A_91 = arith.remsi %add3A_59, %jit3A_74 : i32
      %ne3A_92 = arith.constant 0 : i32
      %ne3A_93 = arith.cmpi ne, %rem3A_91, %ne3A_92 : i32
      %and3A_94 = arith.andi %ne3A_90, %ne3A_93 : i1
      %sub3A_95 = arith.constant 1 : i32
      %sub3A_96 = arith.subi %div3A_75, %sub3A_95 : i32
      %select_n3A_97 = arith.select %and3A_94, %sub3A_96, %div3A_75 : i32
      %jit3A_98 = arith.constant 4 : i32
      %eq3A_99 = arith.constant 0 : i32
      %eq3A_100 = arith.cmpi eq, %jit3A_98, %eq3A_99 : i32
      %jit3A_101 = arith.constant 1 : i32
      %select_n3A_102 = arith.select %eq3A_100, %jit3A_101, %jit3A_98 : i32
      %rem3A_103 = arith.remsi %add3A_59, %select_n3A_102 : i32
      %ne3A_104 = arith.constant 0 : i32
      %ne3A_105 = arith.cmpi ne, %rem3A_103, %ne3A_104 : i32
      %lt3A_106 = arith.constant 0 : i32
      %lt3A_107 = arith.cmpi slt, %rem3A_103, %lt3A_106 : i32
      %lt3A_108 = arith.constant 0 : i32
      %lt3A_109 = arith.cmpi slt, %select_n3A_102, %lt3A_108 : i32
      %ne3A_110 = arith.xori %lt3A_107, %lt3A_109 : i1
      %and3A_111 = arith.andi %ne3A_110, %ne3A_105 : i1
      %add3A_112 = arith.addi %rem3A_103, %select_n3A_102 : i32
      %select_n3A_113 = arith.select %and3A_111, %add3A_112, %rem3A_103 : i32
      %mul3A_114 = arith.constant 32 : i32
      %mul3A_115 = arith.muli %select_n3A, %mul3A_114 : i32
      %add3A_116 = arith.addi %mul3A_115, %select_n3A_97 : i32
      %mul3A_117 = arith.constant 8 : i32
      %mul3A_118 = arith.muli %add3A_116, %mul3A_117 : i32
      %add3A_119 = arith.addi %mul3A_118, %select_n3A_30 : i32
      %mul3A_120 = arith.constant 4 : i32
      %mul3A_121 = arith.muli %add3A_119, %mul3A_120 : i32
      %add3A_122 = arith.addi %mul3A_121, %select_n3A_113 : i32
      %get3A_123 = arith.constant 0 : index
      %get3A_124 = tpu.vector_load %arg17[%get3A_123] {strides = array<i32>} : memref<216xi32, #tpu.memory_space<vmem>>, vector<16xi32>,
      %add3A_125 = vector.broadcast %add3A_122 : i32 to vector<16xi32>
      %add3A_126 = arith.addi %get3A_124, %add3A_125 : vector<16xi32>
      %swap3A = arith.constant 0 : index
      %swap3A_127 = tpu.vector_load %arg15[%swap3A] {strides = array<i32>} : memref<216xi32, #tpu.memory_space<vmem>>, vector<16xi32>,
      tpu.vector_store %arg15[%swap3A], %add3A_126 {strides = array<i32>} : memref<216xi32, #tpu.memory_space<vmem>>, vector<16xi32>,
      %get3A_128 = arith.constant 16 : index
      %get3A_129 = tpu.vector_load %arg17[%get3A_128] {strides = array<i32>} : memref<216xi32, #tpu.memory_space<vmem>>, vector<16xi32>,
      %add3A_130 = vector.broadcast %add3A_122 : i32 to vector<16xi32>
      %add3A_131 = arith.addi %get3A_129, %add3A_130 : vector<16xi32>
      %swap3A_132 = arith.constant 16 : index
      %swap3A_133 = tpu.vector_load %arg15[%swap3A_132] {strides = array<i32>} : memref<216xi32, #tpu.memory_space<vmem>>, vector<16xi32>,
      tpu.vector_store %arg15[%swap3A_132], %add3A_131 {strides = array<i32>} : memref<216xi32, #tpu.memory_space<vmem>>, vector<16xi32>,
      %get3A_134 = arith.constant 32 : index
      %get3A_135 = tpu.vector_load %arg17[%get3A_134] {strides = array<i32>} : memref<216xi32, #tpu.memory_space<vmem>>, vector<16xi32>,
      %add3A_136 = vector.broadcast %add3A_122 : i32 to vector<16xi32>
      %add3A_137 = arith.addi %get3A_135, %add3A_136 : vector<16xi32>
      %swap3A_138 = arith.constant 32 : index
      %swap3A_139 = tpu.vector_load %arg15[%swap3A_138] {strides = array<i32>} : memref<216xi32, #tpu.memory_space<vmem>>, vector<16xi32>,
      tpu.vector_store %arg15[%swap3A_138], %add3A_137 {strides = array<i32>} : memref<216xi32, #tpu.memory_space<vmem>>, vector<16xi32>,
      %get3A_140 = arith.constant 48 : index
      %get3A_141 = tpu.vector_load %arg17[%get3A_140] {strides = array<i32>} : memref<216xi32, #tpu.memory_space<vmem>>, vector<16xi32>,
      %add3A_142 = vector.broadcast %add3A_122 : i32 to vector<16xi32>
      %add3A_143 = arith.addi %get3A_141, %add3A_142 : vector<16xi32>
      %swap3A_144 = arith.constant 48 : index
      %swap3A_145 = tpu.vector_load %arg15[%swap3A_144] {strides = array<i32>} : memref<216xi32, #tpu.memory_space<vmem>>, vector<16xi32>,
      tpu.vector_store %arg15[%swap3A_144], %add3A_143 {strides = array<i32>} : memref<216xi32, #tpu.memory_space<vmem>>, vector<16xi32>,
      %get3A_146 = arith.constant 64 : index
      %get3A_147 = tpu.vector_load %arg17[%get3A_146] {strides = array<i32>} : memref<216xi32, #tpu.memory_space<vmem>>, vector<16xi32>,
      %add3A_148 = vector.broadcast %add3A_122 : i32 to vector<16xi32>
      %add3A_149 = arith.addi %get3A_147, %add3A_148 : vector<16xi32>
      %swap3A_150 = arith.constant 64 : index
      %swap3A_151 = tpu.vector_load %arg15[%swap3A_150] {strides = array<i32>} : memref<216xi32, #tpu.memory_space<vmem>>, vector<16xi32>,
      tpu.vector_store %arg15[%swap3A_150], %add3A_149 {strides = array<i32>} : memref<216xi32, #tpu.memory_space<vmem>>, vector<16xi32>,
      %get3A_152 = arith.constant 80 : index
      %get3A_153 = tpu.vector_load %arg17[%get3A_152] {strides = array<i32>} : memref<216xi32, #tpu.memory_space<vmem>>, vector<16xi32>,
      %add3A_154 = vector.broadcast %add3A_122 : i32 to vector<16xi32>
      %add3A_155 = arith.addi %get3A_153, %add3A_154 : vector<16xi32>
      %swap3A_156 = arith.constant 80 : index
      %swap3A_157 = tpu.vector_load %arg15[%swap3A_156] {strides = array<i32>} : memref<216xi32, #tpu.memory_space<vmem>>, vector<16xi32>,
      tpu.vector_store %arg15[%swap3A_156], %add3A_155 {strides = array<i32>} : memref<216xi32, #tpu.memory_space<vmem>>, vector<16xi32>,
      %get3A_158 = arith.constant 96 : index
      %get3A_159 = tpu.vector_load %arg17[%get3A_158] {strides = array<i32>} : memref<216xi32, #tpu.memory_space<vmem>>, vector<16xi32>,
      %add3A_160 = vector.broadcast %add3A_122 : i32 to vector<16xi32>
      %add3A_161 = arith.addi %get3A_159, %add3A_160 : vector<16xi32>
      %swap3A_162 = arith.constant 96 : index
      %swap3A_163 = tpu.vector_load %arg15[%swap3A_162] {strides = array<i32>} : memref<216xi32, #tpu.memory_space<vmem>>, vector<16xi32>,
      tpu.vector_store %arg15[%swap3A_162], %add3A_161 {strides = array<i32>} : memref<216xi32, #tpu.memory_space<vmem>>, vector<16xi32>,
      %get3A_164 = arith.constant 112 : index
      %get3A_165 = tpu.vector_load %arg17[%get3A_164] {strides = array<i32>} : memref<216xi32, #tpu.memory_space<vmem>>, vector<16xi32>,
      %add3A_166 = vector.broadcast %add3A_122 : i32 to vector<16xi32>
      %add3A_167 = arith.addi %get3A_165, %add3A_166 : vector<16xi32>
      %swap3A_168 = arith.constant 112 : index
      %swap3A_169 = tpu.vector_load %arg15[%swap3A_168] {strides = array<i32>} : memref<216xi32, #tpu.memory_space<vmem>>, vector<16xi32>,
      tpu.vector_store %arg15[%swap3A_168], %add3A_167 {strides = array<i32>} : memref<216xi32, #tpu.memory_space<vmem>>, vector<16xi32>,
      %get3A_170 = arith.constant 128 : index
      %get3A_171 = tpu.vector_load %arg17[%get3A_170] {strides = array<i32>} : memref<216xi32, #tpu.memory_space<vmem>>, vector<16xi32>,
      %add3A_172 = vector.broadcast %add3A_122 : i32 to vector<16xi32>
      %add3A_173 = arith.addi %get3A_171, %add3A_172 : vector<16xi32>
      %swap3A_174 = arith.constant 128 : index
      %swap3A_175 = tpu.vector_load %arg15[%swap3A_174] {strides = array<i32>} : memref<216xi32, #tpu.memory_space<vmem>>, vector<16xi32>,
      tpu.vector_store %arg15[%swap3A_174], %add3A_173 {strides = array<i32>} : memref<216xi32, #tpu.memory_space<vmem>>, vector<16xi32>,
      %get3A_176 = arith.constant 144 : index
      %get3A_177 = tpu.vector_load %arg17[%get3A_176] {strides = array<i32>} : memref<216xi32, #tpu.memory_space<vmem>>, vector<16xi32>,
      %add3A_178 = vector.broadcast %add3A_122 : i32 to vector<16xi32>
      %add3A_179 = arith.addi %get3A_177, %add3A_178 : vector<16xi32>
      %swap3A_180 = arith.constant 144 : index
      %swap3A_181 = tpu.vector_load %arg15[%swap3A_180] {strides = array<i32>} : memref<216xi32, #tpu.memory_space<vmem>>, vector<16xi32>,
      tpu.vector_store %arg15[%swap3A_180], %add3A_179 {strides = array<i32>} : memref<216xi32, #tpu.memory_space<vmem>>, vector<16xi32>,
      %get3A_182 = arith.constant 160 : index
      %get3A_183 = tpu.vector_load %arg17[%get3A_182] {strides = array<i32>} : memref<216xi32, #tpu.memory_space<vmem>>, vector<16xi32>,
      %add3A_184 = vector.broadcast %add3A_122 : i32 to vector<16xi32>
      %add3A_185 = arith.addi %get3A_183, %add3A_184 : vector<16xi32>
      %swap3A_186 = arith.constant 160 : index
      %swap3A_187 = tpu.vector_load %arg15[%swap3A_186] {strides = array<i32>} : memref<216xi32, #tpu.memory_space<vmem>>, vector<16xi32>,
      tpu.vector_store %arg15[%swap3A_186], %add3A_185 {strides = array<i32>} : memref<216xi32, #tpu.memory_space<vmem>>, vector<16xi32>,
      %get3A_188 = arith.constant 176 : index
      %get3A_189 = tpu.vector_load %arg17[%get3A_188] {strides = array<i32>} : memref<216xi32, #tpu.memory_space<vmem>>, vector<16xi32>,
      %add3A_190 = vector.broadcast %add3A_122 : i32 to vector<16xi32>
      %add3A_191 = arith.addi %get3A_189, %add3A_190 : vector<16xi32>
      %swap3A_192 = arith.constant 176 : index
      %swap3A_193 = tpu.vector_load %arg15[%swap3A_192] {strides = array<i32>} : memref<216xi32, #tpu.memory_space<vmem>>, vector<16xi32>,
      tpu.vector_store %arg15[%swap3A_192], %add3A_191 {strides = array<i32>} : memref<216xi32, #tpu.memory_space<vmem>>, vector<16xi32>,
      %get3A_194 = arith.constant 192 : index
      %get3A_195 = tpu.vector_load %arg17[%get3A_194] {strides = array<i32>} : memref<216xi32, #tpu.memory_space<vmem>>, vector<16xi32>,
      %add3A_196 = vector.broadcast %add3A_122 : i32 to vector<16xi32>
      %add3A_197 = arith.addi %get3A_195, %add3A_196 : vector<16xi32>
      %swap3A_198 = arith.constant 192 : index
      %swap3A_199 = tpu.vector_load %arg15[%swap3A_198] {strides = array<i32>} : memref<216xi32, #tpu.memory_space<vmem>>, vector<16xi32>,
      tpu.vector_store %arg15[%swap3A_198], %add3A_197 {strides = array<i32>} : memref<216xi32, #tpu.memory_space<vmem>>, vector<16xi32>,
      %dma_start3A_200 = arith.constant 0 : i32
      %dma_start3A_201 = tpu.memref_slice %arg15[%dma_start3A_200] : memref<216xi32, #tpu.memory_space<vmem>> -> memref<200xi32, #tpu.memory_space<vmem>>
      %dma_start3A_202 = arith.constant 0 : i32
      %dma_start3A_203 = arith.constant 0 : i32
      %dma_start3A_204 = tpu.memref_slice %arg7[%dma_start3A_202, %dma_start3A_203] : memref<819200x32xf32, #tpu.memory_space<hbm>> -> memref<819200x32xf32, #tpu.memory_space<hbm>>
      tpu.enqueue_indirect_dma source(%arg11 : memref<200x32xf32, #tpu.memory_space<vmem>>) target(%dma_start3A_204 : memref<819200x32xf32, #tpu.memory_space<hbm>>) offsets(%dma_start3A_201 : memref<200xi32, #tpu.memory_space<vmem>>) semaphore(%arg20 : memref<!tpu.dma_semaphore, #tpu.memory_space<semaphore_mem>>)
      %add3A_205 = arith.constant 2 : i32
      %add3A_206 = arith.addi %add3A_59, %add3A_205 : i32
      %lt3A_207 = arith.constant 128 : i32
      %lt3A_208 = arith.cmpi slt, %add3A_206, %lt3A_207 : i32
      %convert_element_type3A_209 = arith.extui %lt3A_208 : i1 to i32
      %cond3A_210 = arith.constant 0 : i32
      %cond3A_211 = arith.cmpi ne, %convert_element_type3A_209, %cond3A_210 : i32
      scf.if %cond3A_211 {
        %add3A_360 = arith.constant 2 : i32
        %add3A_361 = arith.addi %add3A_59, %add3A_360 : i32
        %mul3A_362 = arith.constant 6400 : i32
        %mul3A_363 = arith.muli %add3A_361, %mul3A_362 : i32
        %dma_start3A_364 = tpu.memref_slice %arg3[%mul3A_363] : memref<819200xi32, #tpu.memory_space<hbm>> -> memref<6400xi32, #tpu.memory_space<hbm>>
        %dma_start3A_365 = tpu.memref_slice %arg3[%mul3A_363] : memref<819200xi32, #tpu.memory_space<hbm>> -> memref<6400xi32, #tpu.memory_space<hbm>>
        tpu.enqueue_dma source(%dma_start3A_365 : memref<6400xi32, #tpu.memory_space<hbm>>) target(%arg9 : memref<6400xi32, #tpu.memory_space<vmem>>) target_semaphore(%arg18 : memref<!tpu.dma_semaphore, #tpu.memory_space<semaphore_mem>>)
      } else {
      }
      %add3A_212 = arith.constant 1 : i32
      %add3A_213 = arith.addi %add3A_59, %add3A_212 : i32
      %mul3A_214 = arith.constant 6400 : i32
      %mul3A_215 = arith.muli %add3A_213, %mul3A_214 : i32
      %dma_wait3A_216 = tpu.memref_slice %arg3[%mul3A_215] : memref<819200xi32, #tpu.memory_space<hbm>> -> memref<6400xi32, #tpu.memory_space<hbm>>
      %dma_wait3A_217 = tpu.memref_slice %arg3[%mul3A_215] : memref<819200xi32, #tpu.memory_space<hbm>> -> memref<6400xi32, #tpu.memory_space<hbm>>
      tpu.wait_dma2 semaphore(%arg19 : memref<!tpu.dma_semaphore, #tpu.memory_space<semaphore_mem>>) src(%dma_wait3A_217 : memref<6400xi32, #tpu.memory_space<hbm>>) dst(%arg10 : memref<6400xi32, #tpu.memory_space<vmem>>)
      %ge3A_218 = arith.constant 2 : i32
      %ge3A_219 = arith.cmpi sge, %add3A_59, %ge3A_218 : i32
      %convert_element_type3A_220 = arith.extui %ge3A_219 : i1 to i32
      %cond3A_221 = arith.constant 0 : i32
      %cond3A_222 = arith.cmpi ne, %convert_element_type3A_220, %cond3A_221 : i32
      scf.if %cond3A_222 {
        %dma_wait3A_360 = arith.constant 0 : i32
        %dma_wait3A_361 = tpu.memref_slice %arg16[%dma_wait3A_360] : memref<216xi32, #tpu.memory_space<vmem>> -> memref<200xi32, #tpu.memory_space<vmem>>
        %dma_wait3A_362 = arith.constant 0 : i32
        %dma_wait3A_363 = arith.constant 0 : i32
        %dma_wait3A_364 = tpu.memref_slice %arg7[%dma_wait3A_362, %dma_wait3A_363] : memref<819200x32xf32, #tpu.memory_space<hbm>> -> memref<819200x32xf32, #tpu.memory_space<hbm>>
        tpu.wait_indirect_dma semaphore(%arg21 : memref<!tpu.dma_semaphore, #tpu.memory_space<semaphore_mem>>) src(%arg12 : memref<200x32xf32, #tpu.memory_space<vmem>>) dst(%dma_wait3A_364 : memref<819200x32xf32, #tpu.memory_space<hbm>>)
      } else {
      }
      %parallel_loop3A_223 = arith.constant 0 : i32
      %parallel_loop3A_224 = arith.constant 200 : i32
      %parallel_loop3A_225 = arith.constant 1 : i32
      scf.for %parallel_loop3A_360 = %parallel_loop3A_223 to %parallel_loop3A_224 step %parallel_loop3A_225  : i32 {
        %parallel_loop3A_361 = arith.constant 16 : i32
        %parallel_loop3A_362 = arith.muli %parallel_loop3A_360, %parallel_loop3A_361 : i32
        %parallel_loop3A_363 = arith.index_cast %parallel_loop3A_362 : i32 to index
        %parallel_loop3A_364 = tpu.vector_load %arg13[%parallel_loop3A_363] {strides = array<i32>} : memref<3200xf32, #tpu.memory_space<vmem>>, vector<16xf32>,
        %parallel_loop3A_365 = vector.broadcast %parallel_loop3A_360 : i32 to vector<16xi32>
        %parallel_loop3A_366 = arith.addi %get3A_35, %parallel_loop3A_365 : vector<16xi32>
        %parallel_loop3A_367 = tpu.vector_load_idx %arg10[%parallel_loop3A_366] : memref<6400xi32, #tpu.memory_space<vmem>>[vector<16xi32>], vector<16xi32>,
        %parallel_loop3A_368 = tpu.vector_load_idx %arg8[%broadcast_in_dim3A_38, %parallel_loop3A_367] : memref<782x128xf32, #tpu.memory_space<vmem>>[vector<16xi32>, vector<16xi32>], vector<16xf32>,
        %parallel_loop3A_369 = arith.addf %parallel_loop3A_368, %parallel_loop3A_364 : vector<16xf32>
        %parallel_loop3A_370 = arith.index_cast %parallel_loop3A_360 : i32 to index
        %parallel_loop3A_371 = arith.constant 0 : index
        %parallel_loop3A_372 = tpu.vector_load %arg12[%parallel_loop3A_370, %parallel_loop3A_371] {strides = array<i32>} : memref<200x32xf32, #tpu.memory_space<vmem>>, vector<16xf32>,
        tpu.vector_store %arg12[%parallel_loop3A_370, %parallel_loop3A_371], %parallel_loop3A_369 {strides = array<i32>} : memref<200x32xf32, #tpu.memory_space<vmem>>, vector<16xf32>,
        %parallel_loop3A_373 = vector.broadcast %parallel_loop3A_360 : i32 to vector<16xi32>
        %parallel_loop3A_374 = arith.addi %get3A_37, %parallel_loop3A_373 : vector<16xi32>
        %parallel_loop3A_375 = tpu.vector_load_idx %arg10[%parallel_loop3A_374] : memref<6400xi32, #tpu.memory_space<vmem>>[vector<16xi32>], vector<16xi32>,
        %parallel_loop3A_376 = tpu.vector_load_idx %arg8[%broadcast_in_dim3A_38, %parallel_loop3A_375] : memref<782x128xf32, #tpu.memory_space<vmem>>[vector<16xi32>, vector<16xi32>], vector<16xf32>,
        %parallel_loop3A_377 = arith.addf %parallel_loop3A_376, %parallel_loop3A_364 : vector<16xf32>
        %parallel_loop3A_378 = arith.index_cast %parallel_loop3A_360 : i32 to index
        %parallel_loop3A_379 = arith.constant 16 : index
        %parallel_loop3A_380 = tpu.vector_load %arg12[%parallel_loop3A_378, %parallel_loop3A_379] {strides = array<i32>} : memref<200x32xf32, #tpu.memory_space<vmem>>, vector<16xf32>,
        tpu.vector_store %arg12[%parallel_loop3A_378, %parallel_loop3A_379], %parallel_loop3A_377 {strides = array<i32>} : memref<200x32xf32, #tpu.memory_space<vmem>>, vector<16xf32>,
      } {sc.loop_unroll_factor = 4 : i64, sc.parallel_access}
      %add3A_226 = arith.constant 1 : i32
      %add3A_227 = arith.addi %add3A_59, %add3A_226 : i32
      %jit3A_228 = arith.constant 4 : i32
      %div3A_229 = arith.divsi %add3A_227, %jit3A_228 : i32
      %sign3A_230 = arith.constant 0 : i32
      %sign3A_231 = arith.cmpi sgt, %add3A_227, %sign3A_230 : i32
      %sign3A_232 = arith.extui %sign3A_231 : i1 to i32
      %sign3A_233 = arith.constant 0 : i32
      %sign3A_234 = arith.cmpi slt, %add3A_227, %sign3A_233 : i32
      %sign3A_235 = arith.extui %sign3A_234 : i1 to i32
      %sign3A_236 = arith.subi %sign3A_232, %sign3A_235 : i32
      %sign3A_237 = arith.constant 0 : i32
      %sign3A_238 = arith.cmpi sgt, %jit3A_228, %sign3A_237 : i32
      %sign3A_239 = arith.extui %sign3A_238 : i1 to i32
      %sign3A_240 = arith.constant 0 : i32
      %sign3A_241 = arith.cmpi slt, %jit3A_228, %sign3A_240 : i32
      %sign3A_242 = arith.extui %sign3A_241 : i1 to i32
      %sign3A_243 = arith.subi %sign3A_239, %sign3A_242 : i32
      %ne3A_244 = arith.cmpi ne, %sign3A_236, %sign3A_243 : i32
      %rem3A_245 = arith.remsi %add3A_227, %jit3A_228 : i32
      %ne3A_246 = arith.constant 0 : i32
      %ne3A_247 = arith.cmpi ne, %rem3A_245, %ne3A_246 : i32
      %and3A_248 = arith.andi %ne3A_244, %ne3A_247 : i1
      %sub3A_249 = arith.constant 1 : i32
      %sub3A_250 = arith.subi %div3A_229, %sub3A_249 : i32
      %select_n3A_251 = arith.select %and3A_248, %sub3A_250, %div3A_229 : i32
      %jit3A_252 = arith.constant 4 : i32
      %eq3A_253 = arith.constant 0 : i32
      %eq3A_254 = arith.cmpi eq, %jit3A_252, %eq3A_253 : i32
      %jit3A_255 = arith.constant 1 : i32
      %select_n3A_256 = arith.select %eq3A_254, %jit3A_255, %jit3A_252 : i32
      %rem3A_257 = arith.remsi %add3A_227, %select_n3A_256 : i32
      %ne3A_258 = arith.constant 0 : i32
      %ne3A_259 = arith.cmpi ne, %rem3A_257, %ne3A_258 : i32
      %lt3A_260 = arith.constant 0 : i32
      %lt3A_261 = arith.cmpi slt, %rem3A_257, %lt3A_260 : i32
      %lt3A_262 = arith.constant 0 : i32
      %lt3A_263 = arith.cmpi slt, %select_n3A_256, %lt3A_262 : i32
      %ne3A_264 = arith.xori %lt3A_261, %lt3A_263 : i1
      %and3A_265 = arith.andi %ne3A_264, %ne3A_259 : i1
      %add3A_266 = arith.addi %rem3A_257, %select_n3A_256 : i32
      %select_n3A_267 = arith.select %and3A_265, %add3A_266, %rem3A_257 : i32
      %mul3A_268 = arith.constant 32 : i32
      %mul3A_269 = arith.muli %select_n3A, %mul3A_268 : i32
      %add3A_270 = arith.addi %mul3A_269, %select_n3A_251 : i32
      %mul3A_271 = arith.constant 8 : i32
      %mul3A_272 = arith.muli %add3A_270, %mul3A_271 : i32
      %add3A_273 = arith.addi %mul3A_272, %select_n3A_30 : i32
      %mul3A_274 = arith.constant 4 : i32
      %mul3A_275 = arith.muli %add3A_273, %mul3A_274 : i32
      %add3A_276 = arith.addi %mul3A_275, %select_n3A_267 : i32
      %get3A_277 = arith.constant 0 : index
      %get3A_278 = tpu.vector_load %arg17[%get3A_277] {strides = array<i32>} : memref<216xi32, #tpu.memory_space<vmem>>, vector<16xi32>,
      %add3A_279 = vector.broadcast %add3A_276 : i32 to vector<16xi32>
      %add3A_280 = arith.addi %get3A_278, %add3A_279 : vector<16xi32>
      %swap3A_281 = arith.constant 0 : index
      %swap3A_282 = tpu.vector_load %arg16[%swap3A_281] {strides = array<i32>} : memref<216xi32, #tpu.memory_space<vmem>>, vector<16xi32>,
      tpu.vector_store %arg16[%swap3A_281], %add3A_280 {strides = array<i32>} : memref<216xi32, #tpu.memory_space<vmem>>, vector<16xi32>,
      %get3A_283 = arith.constant 16 : index
      %get3A_284 = tpu.vector_load %arg17[%get3A_283] {strides = array<i32>} : memref<216xi32, #tpu.memory_space<vmem>>, vector<16xi32>,
      %add3A_285 = vector.broadcast %add3A_276 : i32 to vector<16xi32>
      %add3A_286 = arith.addi %get3A_284, %add3A_285 : vector<16xi32>
      %swap3A_287 = arith.constant 16 : index
      %swap3A_288 = tpu.vector_load %arg16[%swap3A_287] {strides = array<i32>} : memref<216xi32, #tpu.memory_space<vmem>>, vector<16xi32>,
      tpu.vector_store %arg16[%swap3A_287], %add3A_286 {strides = array<i32>} : memref<216xi32, #tpu.memory_space<vmem>>, vector<16xi32>,
      %get3A_289 = arith.constant 32 : index
      %get3A_290 = tpu.vector_load %arg17[%get3A_289] {strides = array<i32>} : memref<216xi32, #tpu.memory_space<vmem>>, vector<16xi32>,
      %add3A_291 = vector.broadcast %add3A_276 : i32 to vector<16xi32>
      %add3A_292 = arith.addi %get3A_290, %add3A_291 : vector<16xi32>
      %swap3A_293 = arith.constant 32 : index
      %swap3A_294 = tpu.vector_load %arg16[%swap3A_293] {strides = array<i32>} : memref<216xi32, #tpu.memory_space<vmem>>, vector<16xi32>,
      tpu.vector_store %arg16[%swap3A_293], %add3A_292 {strides = array<i32>} : memref<216xi32, #tpu.memory_space<vmem>>, vector<16xi32>,
      %get3A_295 = arith.constant 48 : index
      %get3A_296 = tpu.vector_load %arg17[%get3A_295] {strides = array<i32>} : memref<216xi32, #tpu.memory_space<vmem>>, vector<16xi32>,
      %add3A_297 = vector.broadcast %add3A_276 : i32 to vector<16xi32>
      %add3A_298 = arith.addi %get3A_296, %add3A_297 : vector<16xi32>
      %swap3A_299 = arith.constant 48 : index
      %swap3A_300 = tpu.vector_load %arg16[%swap3A_299] {strides = array<i32>} : memref<216xi32, #tpu.memory_space<vmem>>, vector<16xi32>,
      tpu.vector_store %arg16[%swap3A_299], %add3A_298 {strides = array<i32>} : memref<216xi32, #tpu.memory_space<vmem>>, vector<16xi32>,
      %get3A_301 = arith.constant 64 : index
      %get3A_302 = tpu.vector_load %arg17[%get3A_301] {strides = array<i32>} : memref<216xi32, #tpu.memory_space<vmem>>, vector<16xi32>,
      %add3A_303 = vector.broadcast %add3A_276 : i32 to vector<16xi32>
      %add3A_304 = arith.addi %get3A_302, %add3A_303 : vector<16xi32>
      %swap3A_305 = arith.constant 64 : index
      %swap3A_306 = tpu.vector_load %arg16[%swap3A_305] {strides = array<i32>} : memref<216xi32, #tpu.memory_space<vmem>>, vector<16xi32>,
      tpu.vector_store %arg16[%swap3A_305], %add3A_304 {strides = array<i32>} : memref<216xi32, #tpu.memory_space<vmem>>, vector<16xi32>,
      %get3A_307 = arith.constant 80 : index
      %get3A_308 = tpu.vector_load %arg17[%get3A_307] {strides = array<i32>} : memref<216xi32, #tpu.memory_space<vmem>>, vector<16xi32>,
      %add3A_309 = vector.broadcast %add3A_276 : i32 to vector<16xi32>
      %add3A_310 = arith.addi %get3A_308, %add3A_309 : vector<16xi32>
      %swap3A_311 = arith.constant 80 : index
      %swap3A_312 = tpu.vector_load %arg16[%swap3A_311] {strides = array<i32>} : memref<216xi32, #tpu.memory_space<vmem>>, vector<16xi32>,
      tpu.vector_store %arg16[%swap3A_311], %add3A_310 {strides = array<i32>} : memref<216xi32, #tpu.memory_space<vmem>>, vector<16xi32>,
      %get3A_313 = arith.constant 96 : index
      %get3A_314 = tpu.vector_load %arg17[%get3A_313] {strides = array<i32>} : memref<216xi32, #tpu.memory_space<vmem>>, vector<16xi32>,
      %add3A_315 = vector.broadcast %add3A_276 : i32 to vector<16xi32>
      %add3A_316 = arith.addi %get3A_314, %add3A_315 : vector<16xi32>
      %swap3A_317 = arith.constant 96 : index
      %swap3A_318 = tpu.vector_load %arg16[%swap3A_317] {strides = array<i32>} : memref<216xi32, #tpu.memory_space<vmem>>, vector<16xi32>,
      tpu.vector_store %arg16[%swap3A_317], %add3A_316 {strides = array<i32>} : memref<216xi32, #tpu.memory_space<vmem>>, vector<16xi32>,
      %get3A_319 = arith.constant 112 : index
      %get3A_320 = tpu.vector_load %arg17[%get3A_319] {strides = array<i32>} : memref<216xi32, #tpu.memory_space<vmem>>, vector<16xi32>,
      %add3A_321 = vector.broadcast %add3A_276 : i32 to vector<16xi32>
      %add3A_322 = arith.addi %get3A_320, %add3A_321 : vector<16xi32>
      %swap3A_323 = arith.constant 112 : index
      %swap3A_324 = tpu.vector_load %arg16[%swap3A_323] {strides = array<i32>} : memref<216xi32, #tpu.memory_space<vmem>>, vector<16xi32>,
      tpu.vector_store %arg16[%swap3A_323], %add3A_322 {strides = array<i32>} : memref<216xi32, #tpu.memory_space<vmem>>, vector<16xi32>,
      %get3A_325 = arith.constant 128 : index
      %get3A_326 = tpu.vector_load %arg17[%get3A_325] {strides = array<i32>} : memref<216xi32, #tpu.memory_space<vmem>>, vector<16xi32>,
      %add3A_327 = vector.broadcast %add3A_276 : i32 to vector<16xi32>
      %add3A_328 = arith.addi %get3A_326, %add3A_327 : vector<16xi32>
      %swap3A_329 = arith.constant 128 : index
      %swap3A_330 = tpu.vector_load %arg16[%swap3A_329] {strides = array<i32>} : memref<216xi32, #tpu.memory_space<vmem>>, vector<16xi32>,
      tpu.vector_store %arg16[%swap3A_329], %add3A_328 {strides = array<i32>} : memref<216xi32, #tpu.memory_space<vmem>>, vector<16xi32>,
      %get3A_331 = arith.constant 144 : index
      %get3A_332 = tpu.vector_load %arg17[%get3A_331] {strides = array<i32>} : memref<216xi32, #tpu.memory_space<vmem>>, vector<16xi32>,
      %add3A_333 = vector.broadcast %add3A_276 : i32 to vector<16xi32>
      %add3A_334 = arith.addi %get3A_332, %add3A_333 : vector<16xi32>
      %swap3A_335 = arith.constant 144 : index
      %swap3A_336 = tpu.vector_load %arg16[%swap3A_335] {strides = array<i32>} : memref<216xi32, #tpu.memory_space<vmem>>, vector<16xi32>,
      tpu.vector_store %arg16[%swap3A_335], %add3A_334 {strides = array<i32>} : memref<216xi32, #tpu.memory_space<vmem>>, vector<16xi32>,
      %get3A_337 = arith.constant 160 : index
      %get3A_338 = tpu.vector_load %arg17[%get3A_337] {strides = array<i32>} : memref<216xi32, #tpu.memory_space<vmem>>, vector<16xi32>,
      %add3A_339 = vector.broadcast %add3A_276 : i32 to vector<16xi32>
      %add3A_340 = arith.addi %get3A_338, %add3A_339 : vector<16xi32>
      %swap3A_341 = arith.constant 160 : index
      %swap3A_342 = tpu.vector_load %arg16[%swap3A_341] {strides = array<i32>} : memref<216xi32, #tpu.memory_space<vmem>>, vector<16xi32>,
      tpu.vector_store %arg16[%swap3A_341], %add3A_340 {strides = array<i32>} : memref<216xi32, #tpu.memory_space<vmem>>, vector<16xi32>,
      %get3A_343 = arith.constant 176 : index
      %get3A_344 = tpu.vector_load %arg17[%get3A_343] {strides = array<i32>} : memref<216xi32, #tpu.memory_space<vmem>>, vector<16xi32>,
      %add3A_345 = vector.broadcast %add3A_276 : i32 to vector<16xi32>
      %add3A_346 = arith.addi %get3A_344, %add3A_345 : vector<16xi32>
      %swap3A_347 = arith.constant 176 : index
      %swap3A_348 = tpu.vector_load %arg16[%swap3A_347] {strides = array<i32>} : memref<216xi32, #tpu.memory_space<vmem>>, vector<16xi32>,
      tpu.vector_store %arg16[%swap3A_347], %add3A_346 {strides = array<i32>} : memref<216xi32, #tpu.memory_space<vmem>>, vector<16xi32>,
      %get3A_349 = arith.constant 192 : index
      %get3A_350 = tpu.vector_load %arg17[%get3A_349] {strides = array<i32>} : memref<216xi32, #tpu.memory_space<vmem>>, vector<16xi32>,
      %add3A_351 = vector.broadcast %add3A_276 : i32 to vector<16xi32>
      %add3A_352 = arith.addi %get3A_350, %add3A_351 : vector<16xi32>
      %swap3A_353 = arith.constant 192 : index
      %swap3A_354 = tpu.vector_load %arg16[%swap3A_353] {strides = array<i32>} : memref<216xi32, #tpu.memory_space<vmem>>, vector<16xi32>,
      tpu.vector_store %arg16[%swap3A_353], %add3A_352 {strides = array<i32>} : memref<216xi32, #tpu.memory_space<vmem>>, vector<16xi32>,
      %dma_start3A_355 = arith.constant 0 : i32
      %dma_start3A_356 = tpu.memref_slice %arg16[%dma_start3A_355] : memref<216xi32, #tpu.memory_space<vmem>> -> memref<200xi32, #tpu.memory_space<vmem>>
      %dma_start3A_357 = arith.constant 0 : i32
      %dma_start3A_358 = arith.constant 0 : i32
      %dma_start3A_359 = tpu.memref_slice %arg7[%dma_start3A_357, %dma_start3A_358] : memref<819200x32xf32, #tpu.memory_space<hbm>> -> memref<819200x32xf32, #tpu.memory_space<hbm>>
      tpu.enqueue_indirect_dma source(%arg12 : memref<200x32xf32, #tpu.memory_space<vmem>>) target(%dma_start3A_359 : memref<819200x32xf32, #tpu.memory_space<hbm>>) offsets(%dma_start3A_356 : memref<200xi32, #tpu.memory_space<vmem>>) semaphore(%arg21 : memref<!tpu.dma_semaphore, #tpu.memory_space<semaphore_mem>>)
    }
    %scan3A_45 = arith.constant 64 : i32
    %dma_wait3A = arith.constant 0 : i32
    %dma_wait3A_46 = tpu.memref_slice %arg15[%dma_wait3A] : memref<216xi32, #tpu.memory_space<vmem>> -> memref<200xi32, #tpu.memory_space<vmem>>
    %dma_wait3A_47 = arith.constant 0 : i32
    %dma_wait3A_48 = arith.constant 0 : i32
    %dma_wait3A_49 = tpu.memref_slice %arg7[%dma_wait3A_47, %dma_wait3A_48] : memref<819200x32xf32, #tpu.memory_space<hbm>> -> memref<819200x32xf32, #tpu.memory_space<hbm>>
    tpu.wait_indirect_dma semaphore(%arg20 : memref<!tpu.dma_semaphore, #tpu.memory_space<semaphore_mem>>) src(%arg11 : memref<200x32xf32, #tpu.memory_space<vmem>>) dst(%dma_wait3A_49 : memref<819200x32xf32, #tpu.memory_space<hbm>>)
    %dma_wait3A_50 = arith.constant 0 : i32
    %dma_wait3A_51 = tpu.memref_slice %arg16[%dma_wait3A_50] : memref<216xi32, #tpu.memory_space<vmem>> -> memref<200xi32, #tpu.memory_space<vmem>>
    %dma_wait3A_52 = arith.constant 0 : i32
    %dma_wait3A_53 = arith.constant 0 : i32
    %dma_wait3A_54 = tpu.memref_slice %arg7[%dma_wait3A_52, %dma_wait3A_53] : memref<819200x32xf32, #tpu.memory_space<hbm>> -> memref<819200x32xf32, #tpu.memory_space<hbm>>
    tpu.wait_indirect_dma semaphore(%arg21 : memref<!tpu.dma_semaphore, #tpu.memory_space<semaphore_mem>>) src(%arg12 : memref<200x32xf32, #tpu.memory_space<vmem>>) dst(%dma_wait3A_54 : memref<819200x32xf32, #tpu.memory_space<hbm>>)
    return
  }
}

</mosaic_0001>

<sc_bundles>
// kernel: kernel.3.cloned.1.call-start
scs
__scs_entry_jumppad:
0x0: {  	(pc) =	sbr.rel $0x88, $3  }
0x1: {  	(tag) =	ssettag $0x0;
	lr =	simm.s32 $0x1  }
0x2: {  	[smem:$0x3F9E] =	sst lr;
	_ =	strace $0xD0000000  }
0x3: {  	_ = 	snop  }
0x4: {  	_ = 	snop  }
0x5: {  	_ = 	snop  }
0x6: {  	_ = 	snop  }
0x7: {  	_ = 	snop  }
__scs_overlays_trampoline_lowered:
0x8: {  	[smem:$0x3FAD] =	sst s0  }
0x9: {  	[smem:$0x3FAE] =	sst s1  }
0xa: {  	[smem:$0x3FAF] =	sst s2  }
0xb: {  	[smem:$0x3FB0] =	sst s3  }
0xc: {  	[smem:$0x3FB1] =	sst s4  }
0xd: {  	[smem:$0x3FB2] =	sst s5  }
0xe: {  	[smem:$0x3FB3] =	sst s6  }
0xf: {  	[smem:$0x3FB4] =	sst s7  }
0x10: {  	[smem:$0x3FB5] =	sst s8  }
0x11: {  	[smem:$0x3FB6] =	sst s9;
	s0 =	simm.s32 @!p0 $0x0  }
0x12: {  	s1 =	sld [smem:$0x3F9C];
	s0 =	simm.s32 @p0 $0x1  }
0x13: {  	[smem:$0x3FB7] =	sst s0;
	s0 =	simm.s32 @!p1 $0x0  }
0x14: {  	s2 =	sld [smem:$0x3F9B];
	s0 =	simm.s32 @p1 $0x1  }
0x15: {  	[smem:$0x3FB8] =	sst s0;
	s0 =	simm.s32 @!p2 $0x0  }
0x16: {  	s3 =	sld [smem:$0x3FDB];
	s0 =	simm.s32 @p2 $0x1  }
0x17: {  	s4 =	simm.s32 $0x1BF5;
	[smem:$0x3FBA] =	sst s0  }
0x18: {  	s0 =	sld [smem:$0x3F9D];
	_ =	swait.ge [sflag:s4], $0x0  }
0x19: {  	s7 =	sld [smem:$0x3F9E]  }
0x1a: {  	s8 =	sadd.s32 $0xFFFFE003, lr  }
0x1b: {  	s9 =	sadd.s32 $0xFFFFFEF7, lr;
	s5 =	simm.s32 $0xFFFFFFFF;
	p2 =	slt.u32 s8, $0xFFFFF086  }
0x1c: {  	p1 =	slt.u32 s9, $0xF7A;
	s5 =	simm.s32 @!p2 $0x0  }
0x1d: {  	s5 =	simm.s32 @p1 $0x1;
	p0 =	seq.s32 s7, s2  }
0x1e: {  	s7 =	smul.u32 @!p0 $0xF7A, s2;
	p2 =	seq.s32 @!p0 s5, $0x0  }
0x1f: {  	s9 =	smul.u32 $0xF7A, s1;
	s8 =	simm.s32 @!p0 $0x1BF5;
	p2 =	por !p2, p0  }
0x20: {  	[sflag:s8] =	ssyncset.s32 @!p0 $0xFFFFF086;
	s6 =	sadd.s32 @!p0 s3, s7;
	s7 =	simm.s32 @!p0 $0x108  }
0x21: {  	s3 =	sadd.s32 s3, s9;
	s6 =	sadd.s32 @!p0 $0x88, s6;
	s7 =	simm.s32 @p2 $0x1082  }
0x22: {  	[simem:s7], [sflag:s8] =	dma.local @!p0 [hbm:s6], $0xF7A  }
0x23: {  	s9 =	sor.u32 $0xD0000000, s2;
	s6 =	simm.s32 $0x108;
	_ =	swait.ge @!p0 [sflag:s8], $0x0  }
0x24: {  	s3 =	sadd.s32 $0x88, s3;
	s6 =	simm.s32 @!p1 $0x1082;
	[sflag:s4] =	ssyncset.s32 $0xFFFFF086  }
0x25: {  	[simem:s6], [sflag:s4] =	dma.local [hbm:s3], $0xF7A  }
0x26: {  	[smem:$0x3F9E] =	sst s1;
	(tag) =	ssettag s2;
	_ =	strace s9  }
0x27: {  	s1 =	sld [smem:$0x3FAE]  }
0x28: {  	s2 =	sld [smem:$0x3FAF]  }
0x29: {  	s4 =	sld [smem:$0x3FB1]  }
0x2a: {  	p0 =	seq.s32 s5, $0x0;
	s5 =	sld [smem:$0x3FB2]  }
0x2b: {  	s6 =	sld [smem:$0x3FB3]  }
0x2c: {  	s7 =	sld [smem:$0x3FB4]  }
0x2d: {  	s3 =	simm.s32 $0x108;
	s8 =	sld [smem:$0x3FB5]  }
0x2e: {  	s3 =	simm.s32 @!p0 $0x1082;
	s9 =	sld [smem:$0x3FB6]  }
0x2f: {  	lr =	sadd.s32 s0, s3;
	s0 =	sld [smem:$0x3FAD]  }
0x30: {  	s3 =	sld [smem:$0x3FB0]  }
0x31: {  	[smem:$0x3FB9] =	sst s10  }
0x32: {  	s10 =	sld [smem:$0x3FB7];
	_ =	sdelay $0x3  }
0x33: {  	p0 =	seq.s32 s10, $0x1;
	s10 =	sld [smem:$0x3FB9];
	_ =	sdelay $0x3  }
0x34: {  	[smem:$0x3FB9] =	sst s10  }
0x35: {  	s10 =	sld [smem:$0x3FB8];
	_ =	sdelay $0x3  }
0x36: {  	p1 =	seq.s32 s10, $0x1;
	s10 =	sld [smem:$0x3FB9];
	_ =	sdelay $0x3  }
0x37: {  	[smem:$0x3FB9] =	sst s10  }
0x38: {  	s10 =	sld [smem:$0x3FBA]  }
0x39: {  	_ = 	snop;
	(pc) =	sbr.ind lr, $3  }
0x3a: {  	_ = 	snop  }
0x3b: {  	_ = 	snop  }
0x3c: {  	p2 =	seq.s32 s10, $0x1;
	s10 =	sld [smem:$0x3FB9]  }
0x3d: {  	_ =	shalt  }
0x3e: {  	_ =	shalt  }
0x3f: {  	_ =	shalt  }
0x40: {  	_ =	shalt  }
0x41: {  	_ =	shalt  }
0x42: {  	_ =	shalt  }
0x43: {  	_ =	shalt  }
0x44: {  	_ =	shalt  }
0x45: {  	_ =	shalt  }
0x46: {  	_ =	shalt  }
0x47: {  	_ =	shalt  }
0x48: {  	_ =	shalt  }
0x49: {  	_ =	shalt  }
0x4a: {  	_ =	shalt  }
0x4b: {  	_ =	shalt  }
0x4c: {  	_ =	shalt  }
0x4d: {  	_ =	shalt  }
0x4e: {  	_ =	shalt  }
0x4f: {  	_ =	shalt  }
0x50: {  	_ =	shalt  }
0x51: {  	_ =	shalt  }
0x52: {  	_ =	shalt  }
0x53: {  	_ =	shalt  }
0x54: {  	_ =	shalt  }
0x55: {  	_ =	shalt  }
0x56: {  	_ =	shalt  }
0x57: {  	_ =	shalt  }
0x58: {  	_ =	shalt  }
0x59: {  	_ =	shalt  }
0x5a: {  	_ =	shalt  }
0x5b: {  	_ =	shalt  }
0x5c: {  	_ =	shalt  }
0x5d: {  	_ =	shalt  }
0x5e: {  	_ =	shalt  }
0x5f: {  	_ =	shalt  }
0x60: {  	_ =	shalt  }
0x61: {  	_ =	shalt  }
0x62: {  	_ =	shalt  }
0x63: {  	_ =	shalt  }
0x64: {  	_ =	shalt  }
0x65: {  	_ =	shalt  }
0x66: {  	_ =	shalt  }
0x67: {  	_ =	shalt  }
0x68: {  	_ =	shalt  }
0x69: {  	_ =	shalt  }
0x6a: {  	_ =	shalt  }
0x6b: {  	_ =	shalt  }
0x6c: {  	_ =	shalt  }
0x6d: {  	_ =	shalt  }
0x6e: {  	_ =	shalt  }
0x6f: {  	_ =	shalt  }
0x70: {  	_ =	shalt  }
0x71: {  	_ =	shalt  }
0x72: {  	_ =	shalt  }
0x73: {  	_ =	shalt  }
0x74: {  	_ =	shalt  }
0x75: {  	_ =	shalt  }
0x76: {  	_ =	shalt  }
0x77: {  	_ =	shalt  }
0x78: {  	_ =	shalt  }
0x79: {  	_ =	shalt  }
0x7a: {  	_ =	shalt  }
0x7b: {  	_ =	shalt  }
0x7c: {  	_ =	shalt  }
0x7d: {  	_ =	shalt  }
0x7e: {  	_ =	shalt  }
0x7f: {  	_ =	shalt  }
0x80: {  	_ =	shalt  }
0x81: {  	_ =	shalt  }
0x82: {  	_ =	shalt  }
0x83: {  	_ =	shalt  }
0x84: {  	_ =	shalt  }
0x85: {  	_ =	shalt  }
0x86: {  	_ =	shalt  }
0x87: {  	_ =	shalt  }
.Lfunc_end0:
.L_simem_size_0:
called_computation_lowered:
.L_overlay_start_0:
0x88: {  	s2 =	sld [smem:$0x3FD9]  }
0x89: {  	s3 =	sld [smem:$0x3FFE];
	_ =	sdelay $0x1  }
0x8a: {  	s1 =	srdreg.scid  }
0x8b: {  	s0 =	sand.u32 $0x1, s1  }
0x8c: {  	s17 =	sshll.u32 s0, $0xA;
	s2 =	sadd.s32 s3, s2  }
0x8d: {  	s2 =	sadd.s32 s2, s17  }
0x8e: {  	[smem:$0x3FC5] =	sst s2  }
0x8f: {  	_ = 	snop  }
0x90: {  	s2 =	sld [smem:$0x3FD0];
	(tm) =	ssettm $0x1  }
0x91: {  	s18 =	sld [smem:$0x3FFB];
	_ =	sdelay $0x3  }
0x92: {  	_ =	strace s18  }
0x93: {  	s3 =	sld [smem:$0x3FFC];
	_ =	sdelay $0x3  }
0x94: {  	_ =	strace s3  }
0x95: {  	s3 =	sld [smem:$0x3FFD];
	_ =	sdelay $0x3  }
0x96: {  	_ =	strace s3  }
0x97: {  	_ =	strace $0x8FFFFFFF  }
0x98: {  	s19 =	sld [smem:$0x3FDB];
	_ =	sdelay $0x1  }
0x99: {  	s4 =	simm.s32 $_scs_section_size  }
0x9a: {  	s5 =	simm.s32 $_size__tile_overlayer_lowered;
	s6 =	simm.s32 $_tile_overlayer_lowered  }
0x9b: {  	s22 =	simm.s32 $0x1BFF;
	s21 =	sshll.u32 s6, $0x1;
	s3 =	sadd.s32 s4, s19  }
0x9c: {  	s7 =	simm.s32 $0x0;
	s20 =	sshll.u32 s5, $0x1;
	s5 =	sadd.s32 s21, s3  }
0x9d: {  	[timem:s7], [sflag:s22] =	dma.local [hbm:s5], s20  }
0x9e: {  	_ =	swait.ge [sflag:s22], s20  }
0x9f: {  	s4 =	ssub.s32 $0x0, s20;
	[sflag:s22] =	ssyncset.done $0x0  }
0xa0: {  	[sflag:s22] =	ssyncadd.s32 s4;
	_ =	sdelay $0x1  }
0xa1: {  	s23 =	simm.s32 $0x1B8B  }
0xa2: {  	_ =	swait.ge [sflag:s23], $0x1  }
0xa3: {  	[sflag:s23] =	ssyncset.done $0x0  }
0xa4: {  	s25 =	simm.s32 $0x1B8E;
	s24 =	sld [smem:$0x3FFE];
	[sflag:s23] =	ssyncadd.s32 $0xFFFFFFFF  }
0xa5: {  	s26 =	simm.s32 $execute0_lowered;
	[smem:$0x3FD2] =	sst s25  }
0xa6: {  	s5 =	sshll.u32 s26, $0x1;
	_ =	strace $0x80000046;
	[dreg:$0x1] =	wrdreg $0xFFFFFFFF  }
0xa7: {  	s28 =	simm.s32 $_size_execute0_lowered;
	s3 =	sadd.s32 s3, s5;
	[dreg:$0x0] =	wrdreg $0x0  }
0xa8: {  	s5 =	sshll.u32 s28, $0x1;
	[dreg:$0x2] =	wrdreg s3  }
0xa9: {  	[dreg:$0x3] =	wrdreg s5  }
0xaa: {  	[dreg:$0x4] =	wrdreg $0xC0  }
0xab: {  	_ =	task [dreg:s7], $0x5FFFF  }
0xac: {  	[dreg:$0x1] =	wrdreg $0xFFFFFFFF  }
0xad: {  	[dreg:$0x0] =	wrdreg $0x60  }
0xae: {  	[dreg:$0x2] =	wrdreg s24  }
0xaf: {  	[dreg:$0x3] =	wrdreg s2  }
0xb0: {  	[dreg:$0x4] =	wrdreg $0x9  }
0xb1: {  	_ =	task.clear_ibuf [dreg:s7], $0x5FFFF;
	_ =	strace $0x90000046  }
0xb2: {  	s29 =	simm.s32 $0x9;
	_ =	strace $0x80000048  }
0xb3: {  	_ =	swait.ge [sflag:s29], $0x1  }
0xb4: {  	[sflag:s29] =	ssyncadd.s32 $0xFFFFFFFF  }
0xb5: {  	_ =	strace $0x90000048  }
0xb6: {  	_ =	sfence  }
0xb7: {  	s30 =	sld [smem:$0x0];
	_ =	sdelay $0x2  }
0xb8: {  	s31 =	sshll.u32 s1, $0xD;
	s1 =	sshrl.u32 s1, $0x2  }
0xb9: {  	s3 =	sand.u32 $0x4000, s31;
	s1 =	sadd.s32 s1, s30  }
0xba: {  	s0 =	sor.u32 s3, s0;
	s1 =	sshll.u32 s1, $0x11  }
0xbb: {  	s0 =	sor.u32 s1, s0  }
0xbc: {  	s0 =	sadd.s32 $0x8F2B, s0  }
0xbd: {  	[sflag:s0] =	ssyncadd.remote.s32 $0x1  }
0xbe: {  	_ =	sfence.sel $0xFFFF  }
0xbf: {  	[dreg:$0x0] =	wrdreg $0xFFFFFFFF;
	(pc) =	sbr.abs _section_cstart, $3  }
0xc0: {  	[dreg:$0x1] =	wrdreg $0xFFFFFFFF  }
0xc1: {  	_ =	task.clear_ibuf [dreg:s7], $0x2FFFF;
	_ =	strace $0x9FFFFFFF  }
0xc2: {  	(tm) =	ssettm $0x7FFFFFFF  }
0xc3: {  	_ =	shalt  }
tec
execute0_lowered:
.L_overlay_start_1:
0x0: {  	(tag) =	ssettag $0x1  }
0x1: {  	s0 =	srdreg.scid  }
0x2: {  	s2 =	stileid.u32;
	s6 =	rddreg [dreg:$0x0];
	s3 =	simm.s32 $0x0  }
0x3: {  	s13 =	simm.s32 $0x5;
	s17 =	simm.s32 $0x18700;
	s18 =	simm.s32 $0x1A000  }
0x4: {  	s19 =	simm.s32 $0x1;
	s20 =	simm.s32 $0xC8;
	s21 =	simm.s32 $0x1F7A0  }
0x5: {  	s22 =	simm.s32 $0x1B900;
	s23 =	simm.s32 $0x2;
	s24 =	simm.s32 $0x4  }
0x6: {  	s25 =	simm.s32 $0x1F878;
	s29 =	simm.s32 $0x0;
	s28 =	simm.s32 $0x6  }
0x7: {  	s1 =	sshll.u32 s2, $0x1;
	s5 =	sshrl.u32 s2, $0x2;
	s2 =	rddreg [dreg:$0x1]  }
0x8: {  	s0 =	sand.u32 $0x1, s0;
	[smem:$0x7FF] =	sst s3;
	s10 =	sadd.s32 $0x800, s6  }
0x9: {  	s1 =	sor.u32 s0, s1;
	s4 =	smul.u32 $0xC3800, s5;
	_ =	strace $0x80000047  }
0xa: {  	s0 =	ssub.s32 $0x2, s0;
	[dreg:$0x3] =	wrdreg s10;
	s7 =	sand.u32 $0x7, s1  }
0xb: {  	s1 =	smul.u32 $0x190, s1;
	s9 =	sshrl.u32 s0, $0x1;
	s8 =	sshll.u32 s7, $0x7  }
0xc: {  	s5 =	sshll.u32 s5, $0xA;
	s0 =	ssub.s32 s0, s9;
	s4 =	sor.u32 s4, s8  }
0xd: {  	s1 =	sadd.s32 s1, s6;
	s0 =	smax.u32 s0, $0x1;
	s4 =	sshrl.u32 s4, $0x3  }
0xe: {  	s1 =	sadd.s32 $0xC00, s1;
	[dreg:$0x7] =	wrdreg s0;
	s26 =	sadd.s32 s4, s6  }
0xf: {  	s4 =	sadd.s32 $0x3E00, s6;
	s6 =	sadd.s32 $0xA00, s6;
	[dreg:$0x6] =	wrdreg s1  }
0x10: {  	s31 =	sshll.u32 s7, $0x2;
	[dreg:$0x4] =	wrdreg s6;
	s30 =	sadd.s32 $0x1CE00, s26  }
0x11: {  	s9 =	sor.u32 s31, s5;
	s26 =	simm.s32 $0x1D200;
	[dreg:$0x5] =	wrdreg s30  }
.LBB2_1:
0x12: {  	s0 =	rddreg [dreg:$0x5];
	s1 =	simm.s32 $0x80;
	s5 =	simm.s32 $0x400  }
0x13: {  	[tilespmem:s3], [sflag:$0x5] =	stream.strided.gather [hbm4b:s0+s1], $0x18700, s5, s1, $0x38;
	[tilespmem:$0x1FA28] =	vst v63  }
0x14: {  	_ =	swait.ge [sflag:s13], $0x18700  }
0x15: {  	[sflag:s13] =	ssyncset.done $0x0  }
0x16: {  	s12 =	simm.s32 $0x1EB00;
	s11 =	rddreg [dreg:$0x6];
	[sflag:s13] =	ssyncadd.s32 $0xFFFE7900  }
0x17: {  	[tilespmem:s12], [sflag:$0x5] =	stream.linear.gather [hbm4b:s11+s3], $0xC80, $0x38;
	[tilespmem:$0x1FA28] =	vst v63  }
0x18: {  	_ =	swait.ge [sflag:s13], $0xC80  }
0x19: {  	[sflag:s13] =	ssyncset.done $0x0  }
0x1a: {  	s15 =	simm.s32 $0x1F780;
	s14 =	rddreg [dreg:$0x3];
	[sflag:s13] =	ssyncadd.s32 $0xFFFFF380  }
0x1b: {  	[tilespmem:s15], [sflag:$0x5] =	stream.linear.gather [hbm4b:s14+s3], $0x20, $0x38;
	[tilespmem:$0x1FA28] =	vst v63  }
0x1c: {  	_ =	swait.ge [sflag:s13], $0x20  }
0x1d: {  	[sflag:s13] =	ssyncset.done $0x0  }
0x1e: {  	s31 =	simm.s32 $0x1F950;
	s16 =	rddreg [dreg:$0x4];
	[sflag:s13] =	ssyncadd.s32 $0xFFFFFFE0  }
0x1f: {  	[tilespmem:s31], [sflag:$0x5] =	stream.linear.gather [hbm4b:s16+s3], $0xD8, $0x38;
	[tilespmem:$0x1FA28] =	vst v63  }
0x20: {  	_ =	swait.ge [sflag:s13], $0xD8  }
0x21: {  	[sflag:s13] =	ssyncset.done $0x0  }
0x22: {  	[sflag:s13] =	ssyncadd.s32 $0xFFFFFF28  }
0x23: {  	v0 =	vld [tilespmem:$0x1F780]  }
0x24: {  	v1 =	vld [tilespmem:$0x1F790];
	_ =	sdelay $0x1  }
0x25: {  	s30 =	simm.s32 $0x0  }
0x26: {  	[tilespmem:s17], [sflag:$0x1] =	stream.linear.gather [hbm4b:s4+s3], $0x1900, $0x38;
	[tilespmem:$0x1FA28] =	vst v63  }
.LBB2_2:
0x27: {  	s31 =	sshllo.u32 s30, $0x1  }
0x28: {  	s0 =	smul.u32 $0x320, s31;
	_ =	sdelay $0x1  }
0x29: {  	s0 =	sadd.s32 s4, s0  }
0x2a: {  	[tilespmem:s18], [sflag:$0x2] =	stream.linear.gather [hbm4b:s0+s3], $0x1900, $0x38;
	[tilespmem:$0x1FA28] =	vst v63  }
0x2b: {  	s6 =	simm.s32 $0x3;
	_ =	swait.ge [sflag:s19], $0x1900  }
0x2c: {  	s15 =	simm.s32 $0x1;
	p0 =	seq.s32 s30, $0x0;
	v4 =	vadd.s32 s6, v0;
	[sflag:s19] =	ssyncset.done $0x0  }
0x2d: {  	s1 =	simm.s32 $0x2;
	v2 =	vadd.s32 s15, v0;
	s5 =	simm.s32 @!p0 $0x3;
	[sflag:s19] =	ssyncadd.s32 $0xFFFFE700  }
0x2e: {  	v3 =	vadd.s32 s1, v0;
	_ =	swait.ge @!p0 [sflag:s5], $0x1900  }
0x2f: {  	s16 =	simm.s32 $0x0;
	[sflag:s5] =	ssyncset.done @!p0 $0x0  }
0x30: {  	v5 =	vadd.s32 s16, v0;
	[sflag:s5] =	ssyncadd.s32 @!p0 $0xFFFFE700  }
0x31: {  	v4 =	vld.idx.msk [tilespmem:v4+s17+$0x0], $0xffff  }
0x32: {  	v2 =	vld.idx.msk [tilespmem:v2+s17+$0x0], $0xffff  }
0x33: {  	v3 =	vld.idx.msk [tilespmem:v3+s17+$0x0], $0xffff;
	_ =	sdelay $0x1  }
0x34: {  	s7 =	simm.s32 $0x1EB20;
	v5 =	vld.idx.msk [tilespmem:v5+s17+$0x0], $0xffff  }
0x35: {  	s11 =	simm.s32 $0x4;
	v9 =	vld [tilespmem:s7+$0x10]  }
0x36: {  	v7 =	vadd.s32 s11, v0;
	v11 =	vld [tilespmem:s7+$0xFFFFFFF0]  }
0x37: {  	v14 =	vld [tilespmem:s7+$0x0]  }
0x38: {  	s8 =	simm.s32 $0x5;
	v4 =	vld.idx.msk [tilespmem:v4+s3+$0x0], $0xffff  }
0x39: {  	s10 =	simm.s32 $0x6;
	v8 =	vadd.s32 s8, v0;
	v6 =	vld.idx.msk [tilespmem:v2+s3+$0x0], $0xffff  }
0x3a: {  	v10 =	vadd.s32 s10, v0;
	v3 =	vld.idx.msk [tilespmem:v3+s3+$0x0], $0xffff  }
0x3b: {  	v12 =	vadd.s32 s6, v1;
	v7 =	vld.idx.msk [tilespmem:v7+s17+$0x0], $0xffff  }
0x3c: {  	v13 =	vadd.s32 s15, v1;
	v5 =	vld.idx.msk [tilespmem:v5+s3+$0x0], $0xffff  }
0x3d: {  	v15 =	vadd.s32 s1, v1;
	v2 =	vld [tilespmem:s7+$0xFFFFFFE0];
	s7 =	simm.s32 $0x7;
	v4 =	vadd.f32 v4, v9  }
0x3e: {  	s1 =	simm.s32 $0x1B940;
	v8 =	vld.idx.msk [tilespmem:v8+s17+$0x0], $0xffff;
	v16 =	vadd.s32 s7, v0;
	v6 =	vadd.f32 v6, v11  }
0x3f: {  	v17 =	vld.idx.msk [tilespmem:v10+s17+$0x0], $0xffff;
	v3 =	vadd.f32 v3, v14;
	[tilespmem:s1+$0x20] =	vst v4  }
0x40: {  	[tilespmem:s1+$0xFFFFFFE0] =	vst v6;
	v4 =	vld.idx.msk [tilespmem:v12+s17+$0x0], $0xffff  }
0x41: {  	v10 =	vadd.s32 s16, v1;
	[tilespmem:s1+$0x0] =	vst v3;
	v6 =	vld.idx.msk [tilespmem:v13+s17+$0x0], $0xffff  }
0x42: {  	v5 =	vadd.f32 v5, v2;
	v3 =	vld.idx.msk [tilespmem:v15+s17+$0x0], $0xffff  }
0x43: {  	v12 =	vld.idx.msk [tilespmem:v16+s17+$0x0], $0xffff  }
0x44: {  	s16 =	simm.s32 $0x1EB60;
	[tilespmem:s1+$0xFFFFFFC0] =	vst v5;
	v5 =	vld.idx.msk [tilespmem:v7+s3+$0x0], $0xffff  }
0x45: {  	v7 =	vld [tilespmem:s16+$0xFFFFFFF0]  }
0x46: {  	v15 =	vld.idx.msk [tilespmem:v10+s17+$0x0], $0xffff  }
0x47: {  	v10 =	vld.idx.msk [tilespmem:v8+s3+$0x0], $0xffff  }
0x48: {  	v4 =	vld.idx.msk [tilespmem:v4+s3+$0x0], $0xffff  }
0x49: {  	v13 =	vld.idx.msk [tilespmem:v6+s3+$0x0], $0xffff  }
0x4a: {  	v18 =	vld.idx.msk [tilespmem:v3+s3+$0x0], $0xffff  }
0x4b: {  	s12 =	simm.s32 $0x8;
	v19 =	vld.idx.msk [tilespmem:v12+s3+$0x0], $0xffff  }
0x4c: {  	v20 =	vadd.s32 s12, v0;
	s15 =	simm.s32 $0x9;
	v3 =	vld [tilespmem:s16+$0x10]  }
0x4d: {  	s14 =	simm.s32 $0xA;
	v8 =	vld.idx.msk [tilespmem:v17+s3+$0x0], $0xffff;
	v17 =	vadd.s32 s15, v0  }
0x4e: {  	v16 =	vadd.s32 s14, v0;
	v6 =	vld [tilespmem:s16+$0x0];
	v21 =	vadd.f32 v4, v9  }
0x4f: {  	v12 =	vadd.s32 s7, v1;
	v4 =	vld [tilespmem:s16+$0xFFFFFFE0];
	v22 =	vadd.f32 v13, v11  }
0x50: {  	s6 =	simm.s32 $0x1B940;
	v13 =	vadd.s32 s8, v1;
	v9 =	vld.idx.msk [tilespmem:v15+s3+$0x0], $0xffff;
	v11 =	vadd.f32 v18, v14;
	[tilespmem:s1+$0x30] =	vst v21  }
0x51: {  	s0 =	sshll.u32 s30, $0x1;
	s5 =	simm.s32 $0xB;
	s7 =	simm.s32 $0xC;
	v15 =	vld.idx.msk [tilespmem:v20+s17+$0x0], $0xffff;
	v14 =	vadd.s32 s10, v1;
	v18 =	vadd.f32 v19, v3;
	[tilespmem:s1+$0xFFFFFFF0] =	vst v22  }
.LBB2_3:
0x52: {  	p1 =	slt.u32 s7, $0xC4;
	v17 =	vld.idx.msk [tilespmem:v17+s17+$0x0], $0xffff;
	v19 =	vadd.s32 s5, v0;
	v10 =	vadd.f32 v10, v7;
	[tilespmem:s1+$0x10] =	vst v11;
	s6 =	sadd.s32 $0x80, s6;
	v11 =	vmov v7  }
0x53: {  	v7 =	vld.idx.msk [tilespmem:v16+s17+$0x0], $0xffff;
	v16 =	vadd.s32 s11, v1;
	v8 =	vadd.f32 v8, v6;
	[tilespmem:s6+$0x20] =	vst v18;
	v18 =	vmov v6;
	s11 =	smov.u32 s12;
	s12 =	smov.u32 s7  }
0x54: {  	v5 =	vadd.f32 v5, v4;
	[tilespmem:s6+$0xFFFFFFE0] =	vst v10;
	v6 =	vld.idx.msk [tilespmem:v12+s17+$0x0], $0xffff  }
0x55: {  	v12 =	vld.idx.msk [tilespmem:v13+s17+$0x0], $0xffff;
	[tilespmem:s6+$0x0] =	vst v8  }
0x56: {  	[tilespmem:s6+$0xFFFFFFC0] =	vst v5;
	v13 =	vld.idx.msk [tilespmem:v14+s17+$0x0], $0xffff;
	v5 =	vadd.f32 v9, v2;
	v2 =	vmov v4  }
0x57: {  	v4 =	vld.idx.msk [tilespmem:v19+s17+$0x0], $0xffff  }
0x58: {  	v9 =	vld.idx.msk [tilespmem:v16+s17+$0x0], $0xffff;
	[tilespmem:s1+$0xFFFFFFD0] =	vst v5;
	s1 =	smov.u32 s6  }
0x59: {  	v5 =	vld.idx.msk [tilespmem:v15+s3+$0x0], $0xffff  }
0x5a: {  	v10 =	vld.idx.msk [tilespmem:v17+s3+$0x0], $0xffff  }
0x5b: {  	v8 =	vld.idx.msk [tilespmem:v7+s3+$0x0], $0xffff  }
0x5c: {  	v14 =	vld.idx.msk [tilespmem:v6+s3+$0x0], $0xffff  }
0x5d: {  	v15 =	vld.idx.msk [tilespmem:v12+s3+$0x0], $0xffff  }
0x5e: {  	v19 =	vld.idx.msk [tilespmem:v13+s3+$0x0], $0xffff  }
0x5f: {  	s16 =	sadd.s32 $0x40, s16;
	v20 =	vld.idx.msk [tilespmem:v4+s3+$0x0], $0xffff  }
0x60: {  	v21 =	vadd.s32 s7, v0;
	s8 =	sadd.s32 $0x1, s7;
	v22 =	vld [tilespmem:s16+$0x10]  }
.Ltmp0:
0x61: {  	s10 =	sadd.s32 $0x2, s7;
	v17 =	vadd.s32 s8, v0;
	v7 =	vld [tilespmem:s16+$0xFFFFFFF0];
	(pc) =	sbr.rel @p1 .LBB2_3-.Ltmp0, $4  }
0x62: {  	v16 =	vadd.s32 s10, v0;
	v24 =	vadd.f32 v14, v3;
	v6 =	vld [tilespmem:s16+$0x0]  }
0x63: {  	v12 =	vadd.s32 s5, v1;
	v23 =	vadd.f32 v15, v11;
	v4 =	vld [tilespmem:s16+$0xFFFFFFE0]  }
0x64: {  	v13 =	vadd.s32 s15, v1;
	s15 =	smov.u32 s8;
	v11 =	vadd.f32 v19, v18;
	v9 =	vld.idx.msk [tilespmem:v9+s3+$0x0], $0xffff;
	[tilespmem:s6+$0x30] =	vst v24  }
0x65: {  	s7 =	sadd.s32 $0x4, s7;
	s5 =	sadd.s32 $0x3, s12;
	v14 =	vadd.s32 s14, v1;
	s14 =	smov.u32 s10;
	v15 =	vld.idx.msk [tilespmem:v21+s17+$0x0], $0xffff;
	v18 =	vadd.f32 v20, v22;
	[tilespmem:s6+$0xFFFFFFF0] =	vst v23;
	v3 =	vmov v22  }
0x66: {  	_ =	sdelay $0x1  }
0x67: {  	v19 =	vadd.s32 s5, v0;
	_ =	sdelay $0x1  }
0x68: {  	v17 =	vld.idx.msk [tilespmem:v17+s17+$0x0], $0xffff  }
0x69: {  	v16 =	vld.idx.msk [tilespmem:v16+s17+$0x0], $0xffff;
	s7 =	sadd.s32 $0x40, s16  }
0x6a: {  	v20 =	vld [tilespmem:s7+$0x10]  }
0x6b: {  	v19 =	vld.idx.msk [tilespmem:v19+s17+$0x0], $0xffff  }
0x6c: {  	v21 =	vld [tilespmem:s7+$0xFFFFFFF0]  }
0x6d: {  	s6 =	sadd.s32 $0x80, s6;
	v23 =	vld [tilespmem:s7+$0x0]  }
0x6e: {  	[tilespmem:s6+$0x20] =	vst v18;
	v41 =	vld [tilespmem:s7+$0xFFFFFFE0]  }
0x6f: {  	v42 =	vld.idx.msk [tilespmem:v12+s17+$0x0], $0xffff  }
0x70: {  	v17 =	vld.idx.msk [tilespmem:v17+s3+$0x0], $0xffff  }
0x71: {  	v10 =	vadd.f32 v10, v7;
	v22 =	vadd.s32 s11, v1;
	v16 =	vld.idx.msk [tilespmem:v16+s3+$0x0], $0xffff  }
0x72: {  	v8 =	vadd.f32 v8, v6;
	v15 =	vld.idx.msk [tilespmem:v15+s3+$0x0], $0xffff  }
0x73: {  	v43 =	vadd.s32 s15, v1;
	v5 =	vadd.f32 v5, v4;
	[tilespmem:s6+$0xFFFFFFE0] =	vst v10;
	v19 =	vld.idx.msk [tilespmem:v19+s3+$0x0], $0xffff  }
0x74: {  	v44 =	vadd.s32 s14, v1;
	v13 =	vld.idx.msk [tilespmem:v13+s17+$0x0], $0xffff;
	[tilespmem:s6+$0x0] =	vst v8  }
0x75: {  	v47 =	vadd.s32 s12, v1;
	[tilespmem:s6+$0xFFFFFFC0] =	vst v5;
	v45 =	vld.idx.msk [tilespmem:v14+s17+$0x0], $0xffff;
	v46 =	vadd.f32 v17, v21  }
0x76: {  	v24 =	vadd.s32 s5, v1;
	s15 =	sadd.s32 $0x80, s6;
	v48 =	vld.idx.msk [tilespmem:v22+s17+$0x0], $0xffff;
	v16 =	vadd.f32 v16, v23  }
0x77: {  	v49 =	vadd.f32 v15, v41;
	v10 =	vld.idx.msk [tilespmem:v42+s3+$0x0], $0xffff;
	[tilespmem:s15+$0xFFFFFFE0] =	vst v46  }
0x78: {  	[tilespmem:s15+$0x0] =	vst v16;
	v12 =	vld.idx.msk [tilespmem:v43+s17+$0x0], $0xffff;
	v19 =	vadd.f32 v19, v20  }
0x79: {  	[tilespmem:s15+$0xFFFFFFC0] =	vst v49;
	v8 =	vld.idx.msk [tilespmem:v44+s17+$0x0], $0xffff  }
0x7a: {  	v14 =	vld.idx.msk [tilespmem:v47+s17+$0x0], $0xffff;
	[tilespmem:s15+$0x20] =	vst v19  }
0x7b: {  	v50 =	vld.idx.msk [tilespmem:v24+s17+$0x0], $0xffff  }
0x7c: {  	v13 =	vld.idx.msk [tilespmem:v13+s3+$0x0], $0xffff;
	_ =	sdelay $0x1  }
0x7d: {  	v51 =	vld.idx.msk [tilespmem:v48+s3+$0x0], $0xffff  }
0x7e: {  	v2 =	vadd.f32 v9, v2;
	v5 =	vld.idx.msk [tilespmem:v45+s3+$0x0], $0xffff  }
0x7f: {  	v3 =	vadd.f32 v10, v3;
	v53 =	vld.idx.msk [tilespmem:v12+s3+$0x0], $0xffff  }
0x80: {  	[tilespmem:s1+$0xFFFFFFD0] =	vst v2;
	v2 =	vadd.f32 v13, v7;
	v54 =	vld.idx.msk [tilespmem:v8+s3+$0x0], $0xffff  }
0x81: {  	[tilespmem:s6+$0x30] =	vst v3;
	v3 =	vld.idx.msk [tilespmem:v14+s3+$0x0], $0xffff  }
0x82: {  	[tilespmem:s6+$0xFFFFFFF0] =	vst v2;
	v2 =	vadd.f32 v51, v4;
	v52 =	vld.idx.msk [tilespmem:v50+s3+$0x0], $0xffff  }
0x83: {  	[tilespmem:s1+$0x10] =	vst v11;
	v5 =	vadd.f32 v5, v6  }
0x84: {  	[tilespmem:s6+$0xFFFFFFD0] =	vst v2;
	v2 =	vadd.f32 v53, v21  }
0x85: {  	[tilespmem:s6+$0x10] =	vst v5;
	v56 =	vadd.f32 v54, v23  }
0x86: {  	[tilespmem:s15+$0xFFFFFFF0] =	vst v2;
	v2 =	vadd.f32 v3, v41  }
0x87: {  	[tilespmem:s15+$0x10] =	vst v56;
	v55 =	vadd.f32 v52, v20  }
0x88: {  	[tilespmem:s15+$0xFFFFFFD0] =	vst v2  }
0x89: {  	[tilespmem:s15+$0x30] =	vst v55  }
0x8a: {  	v2 =	vld [tilespmem:$0x1F950]  }
0x8b: {  	s16 =	sshll.u32 s30, $0x4;
	v3 =	vld [tilespmem:$0x1F960]  }
0x8c: {  	s1 =	sand.u32 $0x3E0, s16;
	v4 =	vld [tilespmem:$0x1F970]  }
0x8d: {  	s0 =	sand.u32 $0x2, s0;
	s1 =	sor.u32 s9, s1;
	v5 =	vld [tilespmem:$0x1F980]  }
0x8e: {  	s0 =	sor.u32 s0, s1;
	v57 =	vld [tilespmem:$0x1F990]  }
0x8f: {  	v58 =	vld [tilespmem:$0x1F9A0];
	v2 =	vadd.s32 s0, v2  }
0x90: {  	[tilespmem:$0x1F7A0] =	vst v2;
	v2 =	vadd.s32 s0, v3;
	v3 =	vld [tilespmem:$0x1F9B0]  }
0x91: {  	v59 =	vld [tilespmem:$0x1F9C0];
	[tilespmem:$0x1F7B0] =	vst v2;
	v2 =	vadd.s32 s0, v4  }
0x92: {  	v60 =	vld [tilespmem:$0x1F9D0];
	[tilespmem:$0x1F7C0] =	vst v2;
	v2 =	vadd.s32 s0, v5  }
0x93: {  	v61 =	vld [tilespmem:$0x1F9E0];
	[tilespmem:$0x1F7D0] =	vst v2;
	v2 =	vadd.s32 s0, v57  }
0x94: {  	v62 =	vld [tilespmem:$0x1F9F0];
	[tilespmem:$0x1F7E0] =	vst v2;
	v2 =	vadd.s32 s0, v58  }
0x95: {  	[tilespmem:$0x1F7F0] =	vst v2;
	v2 =	vadd.s32 s0, v3;
	v3 =	vld [tilespmem:$0x1FA00]  }
0x96: {  	v63 =	vld [tilespmem:$0x1FA10];
	[tilespmem:$0x1F800] =	vst v2;
	v2 =	vadd.s32 s0, v59  }
0x97: {  	[tilespmem:$0x1F810] =	vst v2;
	v2 =	vadd.s32 s0, v60  }
0x98: {  	p1 =	sne.s32 s30, $0x3F;
	[tilespmem:$0x1F820] =	vst v2;
	v2 =	vadd.s32 s0, v61  }
.Ltmp1:
0x99: {  	[tilespmem:$0x1F830] =	vst v2;
	v2 =	vadd.s32 s0, v62;
	(pc) =	sbr.rel @p1 .LBB2_6-.Ltmp1, $4  }
0x9a: {  	[tilespmem:$0x1F840] =	vst v2;
	v2 =	vadd.s32 s0, v3  }
0x9b: {  	[tilespmem:$0x1F850] =	vst v2;
	v2 =	vadd.s32 s0, v63  }
0x9c: {  	[tilespmem:$0x1F860] =	vst v2  }
0x9d: {  	[hbm4b:s2+s20] =	stream.indirect.scatter [tilespmem:s22], [sflag:$0x3], $0x20, s21, s20, $0xb8;
	[tilespmem:$0x1FA28] =	vst v63  }
.Ltmp2:
0x9e: {  	(pc) =	sbr.rel .LBB2_7-.Ltmp2, $4  }
0x9f: {  	_ = 	snop  }
0xa0: {  	_ =	swait.ge [sflag:s23], $0x1900  }
0xa1: {  	[sflag:s23] =	ssyncset.done $0x0  }
0xa2: {  	[sflag:s23] =	ssyncadd.s32 $0xFFFFE700  }
.LBB2_6:
0xa3: {  	s0 =	smul.u32 $0x3200, s30;
	_ =	sdelay $0x1  }
0xa4: {  	s0 =	sshrl.u32 s0, $0x3  }
0xa5: {  	s0 =	sadd.s32 s4, s0  }
.Ltmp3:
0xa6: {  	s0 =	sadd.s32 $0x640, s0;
	(pc) =	sbr.rel @p0 .LBB2_8-.Ltmp3, $4  }
0xa7: {  	[tilespmem:s17], [sflag:$0x1] =	stream.linear.gather [hbm4b:s0+s3], $0x1900, $0x38;
	[tilespmem:$0x1FA28] =	vst v63  }
0xa8: {  	_ =	swait.ge [sflag:s23], $0x1900  }
0xa9: {  	[sflag:s23] =	ssyncset.done $0x0  }
0xaa: {  	[sflag:s23] =	ssyncadd.s32 $0xFFFFE700  }
.LBB2_7:
0xab: {  	_ =	swait.ge [sflag:s24], $0x1900  }
0xac: {  	[sflag:s24] =	ssyncset.done $0x0  }
0xad: {  	[sflag:s24] =	ssyncadd.s32 $0xFFFFE700  }
.LBB2_8:
0xae: {  	s6 =	simm.s32 $0x3  }
0xaf: {  	s0 =	simm.s32 $0x1;
	v4 =	vadd.s32 s6, v0  }
0xb0: {  	s5 =	simm.s32 $0x2;
	v2 =	vadd.s32 s0, v0  }
0xb1: {  	v3 =	vadd.s32 s5, v0  }
0xb2: {  	s7 =	simm.s32 $0x0  }
0xb3: {  	v5 =	vadd.s32 s7, v0  }
0xb4: {  	v4 =	vld.idx.msk [tilespmem:v4+s18+$0x0], $0xffff  }
0xb5: {  	v2 =	vld.idx.msk [tilespmem:v2+s18+$0x0], $0xffff  }
0xb6: {  	v3 =	vld.idx.msk [tilespmem:v3+s18+$0x0], $0xffff;
	_ =	sdelay $0x1  }
0xb7: {  	s8 =	simm.s32 $0x1EB20;
	v5 =	vld.idx.msk [tilespmem:v5+s18+$0x0], $0xffff  }
0xb8: {  	s11 =	simm.s32 $0x4;
	v9 =	vld [tilespmem:s8+$0x10]  }
0xb9: {  	v7 =	vadd.s32 s11, v0;
	v11 =	vld [tilespmem:s8+$0xFFFFFFF0]  }
0xba: {  	v14 =	vld [tilespmem:s8+$0x0]  }
0xbb: {  	v4 =	vld.idx.msk [tilespmem:v4+s3+$0x0], $0xffff  }
0xbc: {  	s10 =	simm.s32 $0x5;
	v10 =	vadd.s32 s28, v0;
	v6 =	vld.idx.msk [tilespmem:v2+s3+$0x0], $0xffff  }
0xbd: {  	v8 =	vadd.s32 s10, v0;
	v3 =	vld.idx.msk [tilespmem:v3+s3+$0x0], $0xffff  }
0xbe: {  	v12 =	vadd.s32 s6, v1;
	v7 =	vld.idx.msk [tilespmem:v7+s18+$0x0], $0xffff  }
0xbf: {  	v13 =	vadd.s32 s0, v1;
	v5 =	vld.idx.msk [tilespmem:v5+s3+$0x0], $0xffff  }
0xc0: {  	v15 =	vadd.s32 s5, v1;
	v2 =	vld [tilespmem:s8+$0xFFFFFFE0];
	s8 =	simm.s32 $0x7;
	v4 =	vadd.f32 v4, v9  }
0xc1: {  	s0 =	simm.s32 $0x1D240;
	v17 =	vld.idx.msk [tilespmem:v10+s18+$0x0], $0xffff;
	v16 =	vadd.s32 s8, v0;
	v6 =	vadd.f32 v6, v11  }
0xc2: {  	v8 =	vld.idx.msk [tilespmem:v8+s18+$0x0], $0xffff;
	v3 =	vadd.f32 v3, v14;
	[tilespmem:s0+$0x20] =	vst v4  }
0xc3: {  	[tilespmem:s0+$0xFFFFFFE0] =	vst v6;
	v4 =	vld.idx.msk [tilespmem:v12+s18+$0x0], $0xffff  }
0xc4: {  	v10 =	vadd.s32 s7, v1;
	[tilespmem:s0+$0x0] =	vst v3;
	v6 =	vld.idx.msk [tilespmem:v13+s18+$0x0], $0xffff  }
0xc5: {  	v5 =	vadd.f32 v5, v2;
	v3 =	vld.idx.msk [tilespmem:v15+s18+$0x0], $0xffff  }
0xc6: {  	v12 =	vld.idx.msk [tilespmem:v16+s18+$0x0], $0xffff  }
0xc7: {  	s16 =	simm.s32 $0x1EB60;
	[tilespmem:s0+$0xFFFFFFC0] =	vst v5;
	v5 =	vld.idx.msk [tilespmem:v7+s3+$0x0], $0xffff  }
0xc8: {  	v7 =	vld [tilespmem:s16+$0xFFFFFFF0]  }
0xc9: {  	v15 =	vld.idx.msk [tilespmem:v10+s18+$0x0], $0xffff  }
0xca: {  	v10 =	vld.idx.msk [tilespmem:v8+s3+$0x0], $0xffff  }
0xcb: {  	v4 =	vld.idx.msk [tilespmem:v4+s3+$0x0], $0xffff  }
0xcc: {  	v13 =	vld.idx.msk [tilespmem:v6+s3+$0x0], $0xffff  }
0xcd: {  	v18 =	vld.idx.msk [tilespmem:v3+s3+$0x0], $0xffff  }
0xce: {  	s12 =	simm.s32 $0x8;
	v19 =	vld.idx.msk [tilespmem:v12+s3+$0x0], $0xffff  }
0xcf: {  	s15 =	simm.s32 $0x9;
	v20 =	vadd.s32 s12, v0;
	v3 =	vld [tilespmem:s16+$0x10]  }
0xd0: {  	s14 =	simm.s32 $0xA;
	v8 =	vld.idx.msk [tilespmem:v17+s3+$0x0], $0xffff;
	v17 =	vadd.s32 s15, v0  }
0xd1: {  	v16 =	vadd.s32 s14, v0;
	v6 =	vld [tilespmem:s16+$0x0];
	v21 =	vadd.f32 v4, v9  }
0xd2: {  	v12 =	vadd.s32 s8, v1;
	v4 =	vld [tilespmem:s16+$0xFFFFFFE0];
	v22 =	vadd.f32 v13, v11  }
0xd3: {  	v13 =	vadd.s32 s10, v1;
	v9 =	vld.idx.msk [tilespmem:v15+s3+$0x0], $0xffff;
	v11 =	vadd.f32 v18, v14;
	[tilespmem:s0+$0x30] =	vst v21  }
0xd4: {  	s5 =	simm.s32 $0xB;
	s6 =	simm.s32 $0x1D240;
	s7 =	simm.s32 $0xC;
	v15 =	vld.idx.msk [tilespmem:v20+s18+$0x0], $0xffff;
	v14 =	vadd.s32 s28, v1;
	v18 =	vadd.f32 v19, v3;
	[tilespmem:s0+$0xFFFFFFF0] =	vst v22  }
.LBB2_9:
0xd5: {  	p0 =	slt.u32 s7, $0xC4;
	v17 =	vld.idx.msk [tilespmem:v17+s18+$0x0], $0xffff;
	v19 =	vadd.s32 s5, v0;
	v10 =	vadd.f32 v10, v7;
	[tilespmem:s0+$0x10] =	vst v11;
	s6 =	sadd.s32 $0x80, s6;
	v11 =	vmov v7  }
0xd6: {  	v7 =	vld.idx.msk [tilespmem:v16+s18+$0x0], $0xffff;
	v16 =	vadd.s32 s11, v1;
	v8 =	vadd.f32 v8, v6;
	[tilespmem:s6+$0x20] =	vst v18;
	v18 =	vmov v6;
	s11 =	smov.u32 s12;
	s12 =	smov.u32 s7  }
0xd7: {  	v5 =	vadd.f32 v5, v4;
	[tilespmem:s6+$0xFFFFFFE0] =	vst v10;
	v6 =	vld.idx.msk [tilespmem:v12+s18+$0x0], $0xffff  }
0xd8: {  	v12 =	vld.idx.msk [tilespmem:v13+s18+$0x0], $0xffff;
	[tilespmem:s6+$0x0] =	vst v8  }
0xd9: {  	[tilespmem:s6+$0xFFFFFFC0] =	vst v5;
	v13 =	vld.idx.msk [tilespmem:v14+s18+$0x0], $0xffff;
	v5 =	vadd.f32 v9, v2;
	v2 =	vmov v4  }
0xda: {  	v4 =	vld.idx.msk [tilespmem:v19+s18+$0x0], $0xffff  }
0xdb: {  	v9 =	vld.idx.msk [tilespmem:v16+s18+$0x0], $0xffff;
	[tilespmem:s0+$0xFFFFFFD0] =	vst v5;
	s0 =	smov.u32 s6  }
0xdc: {  	v5 =	vld.idx.msk [tilespmem:v15+s3+$0x0], $0xffff  }
0xdd: {  	v10 =	vld.idx.msk [tilespmem:v17+s3+$0x0], $0xffff  }
0xde: {  	v8 =	vld.idx.msk [tilespmem:v7+s3+$0x0], $0xffff  }
0xdf: {  	v14 =	vld.idx.msk [tilespmem:v6+s3+$0x0], $0xffff  }
0xe0: {  	v15 =	vld.idx.msk [tilespmem:v12+s3+$0x0], $0xffff  }
0xe1: {  	v19 =	vld.idx.msk [tilespmem:v13+s3+$0x0], $0xffff  }
0xe2: {  	s16 =	sadd.s32 $0x40, s16;
	v20 =	vld.idx.msk [tilespmem:v4+s3+$0x0], $0xffff  }
0xe3: {  	v21 =	vadd.s32 s7, v0;
	s8 =	sadd.s32 $0x1, s7;
	v22 =	vld [tilespmem:s16+$0x10]  }
.Ltmp4:
0xe4: {  	s10 =	sadd.s32 $0x2, s7;
	v17 =	vadd.s32 s8, v0;
	v7 =	vld [tilespmem:s16+$0xFFFFFFF0];
	(pc) =	sbr.rel @p0 .LBB2_9-.Ltmp4, $4  }
0xe5: {  	v16 =	vadd.s32 s10, v0;
	v24 =	vadd.f32 v14, v3;
	v6 =	vld [tilespmem:s16+$0x0]  }
0xe6: {  	v12 =	vadd.s32 s5, v1;
	v23 =	vadd.f32 v15, v11;
	v4 =	vld [tilespmem:s16+$0xFFFFFFE0]  }
0xe7: {  	v13 =	vadd.s32 s15, v1;
	s15 =	smov.u32 s8;
	v11 =	vadd.f32 v19, v18;
	v9 =	vld.idx.msk [tilespmem:v9+s3+$0x0], $0xffff;
	[tilespmem:s6+$0x30] =	vst v24  }
0xe8: {  	s7 =	sadd.s32 $0x4, s7;
	s5 =	sadd.s32 $0x3, s12;
	v14 =	vadd.s32 s14, v1;
	s14 =	smov.u32 s10;
	v15 =	vld.idx.msk [tilespmem:v21+s18+$0x0], $0xffff;
	v18 =	vadd.f32 v20, v22;
	[tilespmem:s6+$0xFFFFFFF0] =	vst v23;
	v3 =	vmov v22  }
0xe9: {  	_ =	sdelay $0x1  }
0xea: {  	v19 =	vadd.s32 s5, v0;
	_ =	sdelay $0x1  }
0xeb: {  	v17 =	vld.idx.msk [tilespmem:v17+s18+$0x0], $0xffff  }
0xec: {  	v16 =	vld.idx.msk [tilespmem:v16+s18+$0x0], $0xffff;
	s7 =	sadd.s32 $0x40, s16  }
0xed: {  	v20 =	vld [tilespmem:s7+$0x10]  }
0xee: {  	v19 =	vld.idx.msk [tilespmem:v19+s18+$0x0], $0xffff  }
0xef: {  	v21 =	vld [tilespmem:s7+$0xFFFFFFF0]  }
0xf0: {  	s6 =	sadd.s32 $0x80, s6;
	v23 =	vld [tilespmem:s7+$0x0]  }
0xf1: {  	[tilespmem:s6+$0x20] =	vst v18;
	v41 =	vld [tilespmem:s7+$0xFFFFFFE0]  }
0xf2: {  	v42 =	vld.idx.msk [tilespmem:v12+s18+$0x0], $0xffff  }
0xf3: {  	v17 =	vld.idx.msk [tilespmem:v17+s3+$0x0], $0xffff  }
0xf4: {  	v10 =	vadd.f32 v10, v7;
	v22 =	vadd.s32 s11, v1;
	v16 =	vld.idx.msk [tilespmem:v16+s3+$0x0], $0xffff  }
0xf5: {  	v8 =	vadd.f32 v8, v6;
	v15 =	vld.idx.msk [tilespmem:v15+s3+$0x0], $0xffff  }
0xf6: {  	v43 =	vadd.s32 s15, v1;
	v5 =	vadd.f32 v5, v4;
	[tilespmem:s6+$0xFFFFFFE0] =	vst v10;
	v19 =	vld.idx.msk [tilespmem:v19+s3+$0x0], $0xffff  }
0xf7: {  	v44 =	vadd.s32 s14, v1;
	v13 =	vld.idx.msk [tilespmem:v13+s18+$0x0], $0xffff;
	[tilespmem:s6+$0x0] =	vst v8  }
0xf8: {  	v47 =	vadd.s32 s12, v1;
	[tilespmem:s6+$0xFFFFFFC0] =	vst v5;
	v45 =	vld.idx.msk [tilespmem:v14+s18+$0x0], $0xffff;
	v46 =	vadd.f32 v17, v21  }
0xf9: {  	v24 =	vadd.s32 s5, v1;
	s16 =	sadd.s32 $0x80, s6;
	v48 =	vld.idx.msk [tilespmem:v22+s18+$0x0], $0xffff;
	v16 =	vadd.f32 v16, v23  }
0xfa: {  	v49 =	vadd.f32 v15, v41;
	v10 =	vld.idx.msk [tilespmem:v42+s3+$0x0], $0xffff;
	[tilespmem:s16+$0xFFFFFFE0] =	vst v46  }
0xfb: {  	[tilespmem:s16+$0x0] =	vst v16;
	v12 =	vld.idx.msk [tilespmem:v43+s18+$0x0], $0xffff;
	v19 =	vadd.f32 v19, v20  }
0xfc: {  	[tilespmem:s16+$0xFFFFFFC0] =	vst v49;
	v8 =	vld.idx.msk [tilespmem:v44+s18+$0x0], $0xffff  }
0xfd: {  	v14 =	vld.idx.msk [tilespmem:v47+s18+$0x0], $0xffff;
	[tilespmem:s16+$0x20] =	vst v19  }
0xfe: {  	v50 =	vld.idx.msk [tilespmem:v24+s18+$0x0], $0xffff  }
0xff: {  	v13 =	vld.idx.msk [tilespmem:v13+s3+$0x0], $0xffff;
	_ =	sdelay $0x1  }
0x100: {  	v51 =	vld.idx.msk [tilespmem:v48+s3+$0x0], $0xffff  }
0x101: {  	v2 =	vadd.f32 v9, v2;
	v5 =	vld.idx.msk [tilespmem:v45+s3+$0x0], $0xffff  }
0x102: {  	v3 =	vadd.f32 v10, v3;
	v53 =	vld.idx.msk [tilespmem:v12+s3+$0x0], $0xffff  }
0x103: {  	[tilespmem:s0+$0xFFFFFFD0] =	vst v2;
	v2 =	vadd.f32 v13, v7;
	v54 =	vld.idx.msk [tilespmem:v8+s3+$0x0], $0xffff  }
0x104: {  	[tilespmem:s6+$0x30] =	vst v3;
	v3 =	vld.idx.msk [tilespmem:v14+s3+$0x0], $0xffff  }
0x105: {  	[tilespmem:s6+$0xFFFFFFF0] =	vst v2;
	v2 =	vadd.f32 v51, v4;
	v52 =	vld.idx.msk [tilespmem:v50+s3+$0x0], $0xffff  }
0x106: {  	[tilespmem:s0+$0x10] =	vst v11;
	v5 =	vadd.f32 v5, v6  }
0x107: {  	[tilespmem:s6+$0xFFFFFFD0] =	vst v2;
	v2 =	vadd.f32 v53, v21  }
0x108: {  	[tilespmem:s6+$0x10] =	vst v5;
	v56 =	vadd.f32 v54, v23  }
0x109: {  	[tilespmem:s16+$0xFFFFFFF0] =	vst v2;
	v2 =	vadd.f32 v3, v41  }
0x10a: {  	[tilespmem:s16+$0x10] =	vst v56;
	v55 =	vadd.f32 v52, v20  }
0x10b: {  	[tilespmem:s16+$0xFFFFFFD0] =	vst v2  }
0x10c: {  	[tilespmem:s16+$0x30] =	vst v55  }
0x10d: {  	v2 =	vld [tilespmem:$0x1F950]  }
0x10e: {  	v3 =	vld [tilespmem:$0x1F960]  }
0x10f: {  	v4 =	vld [tilespmem:$0x1F970]  }
0x110: {  	s31 =	sand.u32 $0x3, s31;
	v5 =	vld [tilespmem:$0x1F980]  }
0x111: {  	s0 =	sor.u32 s31, s1;
	v57 =	vld [tilespmem:$0x1F990]  }
0x112: {  	v58 =	vld [tilespmem:$0x1F9A0];
	v2 =	vadd.s32 s0, v2  }
0x113: {  	[tilespmem:$0x1F878] =	vst v2;
	v2 =	vadd.s32 s0, v3;
	v3 =	vld [tilespmem:$0x1F9B0]  }
0x114: {  	v59 =	vld [tilespmem:$0x1F9C0];
	[tilespmem:$0x1F888] =	vst v2;
	v2 =	vadd.s32 s0, v4  }
0x115: {  	v60 =	vld [tilespmem:$0x1F9D0];
	[tilespmem:$0x1F898] =	vst v2;
	v2 =	vadd.s32 s0, v5  }
0x116: {  	v61 =	vld [tilespmem:$0x1F9E0];
	[tilespmem:$0x1F8A8] =	vst v2;
	v2 =	vadd.s32 s0, v57  }
0x117: {  	v62 =	vld [tilespmem:$0x1F9F0];
	[tilespmem:$0x1F8B8] =	vst v2;
	v2 =	vadd.s32 s0, v58  }
0x118: {  	[tilespmem:$0x1F8C8] =	vst v2;
	v2 =	vadd.s32 s0, v3;
	v3 =	vld [tilespmem:$0x1FA00]  }
0x119: {  	v63 =	vld [tilespmem:$0x1FA10];
	[tilespmem:$0x1F8D8] =	vst v2;
	v2 =	vadd.s32 s0, v59  }
0x11a: {  	s30 =	sadd.s32 $0x1, s30;
	[tilespmem:$0x1F8E8] =	vst v2;
	v2 =	vadd.s32 s0, v60  }
0x11b: {  	p0 =	sne.s32 s30, $0x40;
	[tilespmem:$0x1F8F8] =	vst v2;
	v2 =	vadd.s32 s0, v61  }
.Ltmp5:
0x11c: {  	[tilespmem:$0x1F908] =	vst v2;
	v2 =	vadd.s32 s0, v62;
	(pc) =	sbr.rel @p0 .LBB2_2-.Ltmp5, $4  }
0x11d: {  	[tilespmem:$0x1F918] =	vst v2;
	v2 =	vadd.s32 s0, v3  }
0x11e: {  	[tilespmem:$0x1F928] =	vst v2;
	v2 =	vadd.s32 s0, v63  }
0x11f: {  	[tilespmem:$0x1F938] =	vst v2  }
0x120: {  	[hbm4b:s2+s20] =	stream.indirect.scatter [tilespmem:s26], [sflag:$0x4], $0x20, s25, s20, $0xb8;
	[tilespmem:$0x1FA28] =	vst v63  }
0x121: {  	s0 =	simm.s32 $0x3  }
0x122: {  	_ =	swait.ge [sflag:s0], $0x1900  }
0x123: {  	[sflag:s0] =	ssyncset.done $0x0  }
0x124: {  	[sflag:s0] =	ssyncadd.s32 $0xFFFFE700  }
0x125: {  	_ =	swait.ge [sflag:s24], $0x1900  }
0x126: {  	s29 =	sadd.s32 $0x1, s29;
	s31 =	rddreg [dreg:$0x7]  }
0x127: {  	p0 =	sne.s32 s29, s31  }
.Ltmp6:
0x128: {  	_ = 	snop;
	(pc) =	sbr.rel @p0 .LBB2_1-.Ltmp6, $3  }
0x129: {  	_ =	sdelay $0x1  }
0x12a: {  	[sflag:s24] =	ssyncset.done $0x0  }
0x12b: {  	[sflag:s24] =	ssyncadd.s32 $0xFFFFE700  }
0x12c: {  	_ =	sfence.sel $0x180000  }
0x12d: {  	[bflag:$0x0] =	sbarrier.arrive $0xFFFF  }
0x12e: {  	_ =	strace $0x90000047  }
0x12f: {  	s0 =	stileid.u32;
	[bflag:$0x2] =	sbarrier.arrive $0xFFFF  }
0x130: {  	p0 =	sne.s32 s0, $0x0;
	s0 =	rddreg [dreg:$0x2]  }
0x131: {  	s0 =	sadd.s32 @!p0 $0x100000, s0  }
0x132: {  	[sflag:s0] =	ssyncadd.tile.s32 @!p0 $0x1;
	_ =	shalt  }
.Lfunc_end2:
_tile_overlayer_lowered:
.L_overlay_start_2:
0x133: {  	(tag) =	ssettag $0x2  }
0x134: {  	s0 =	rddreg [dreg:$0x0];
	s2 =	stileid.u32  }
0x135: {  	s1 =	rddreg [dreg:$0x1];
	p0 =	sne.s32 s2, $0x0  }
0x136: {  	s3 =	rddreg [dreg:$0x2];
	[bflag:$0x3] =	sbarrier.arrive $0xFFFF;
	s2 =	simm.s32 @!p0 $0x1C05  }
0x137: {  	[timem:s3], [sflag:s2] =	dma.local @!p0 [hbm:s0], s1  }
0x138: {  	s0 =	simm.s32 @!p0 $0x5  }
0x139: {  	_ =	swait.ge @!p0 [sflag:s0], s1  }
0x13a: {  	s1 =	ssub.s32 @!p0 $0x0, s1;
	[sflag:s0] =	ssyncset.done @!p0 $0x0  }
0x13b: {  	[sflag:s0] =	ssyncadd.s32 @!p0 s1  }
0x13c: {  	[bflag:$0x3] =	sbarrier.arrive $0xFFFF  }
0x13d: {  	_ =	shalt  }

</sc_bundles>
